<compile_context>
chip_gen: v7x
topology: tpu7x:2x2x1
jax: 0.10.2.dev20260603
libtpu: 0.0.44.dev20260713+nightly
codegen_flags: <defaults>
</compile_context>

<pallas_src>
import functools

import jax
import jax.numpy as jnp
from jax import lax
from jax.experimental import pallas as pl
from jax.experimental.pallas import tpu as pltpu
from jax.experimental.pallas import tpu_sc as plsc

_NNZ = 268435
_NC = 1
_NW = _NC * 16
_C = 16768
_STAGES = ((0, 6288), (6288, 6288), (12576, 2096), (14672, 2096))
_MAIN = _NW * _C
_TAIL = _NNZ - _MAIN
_TAIL_PAD = 160
_SCALE = float(1.0 / 0.9)
_LANES = 16


def _drop(x, r):
    keep = (r + jnp.float32(0.9)) >= jnp.float32(1.0)
    return jnp.where(keep, x * jnp.float32(_SCALE), jnp.float32(0.0))


def _dropout_body(vals_hbm, rand_hbm, out_hbm,
                  v_v, r_v, o_v, tv_v, tr_v, sem, sem_b, tsem):
    wid = lax.axis_index("s") * _NC + lax.axis_index("c")
    base = wid * _C
    is_tail_worker = wid == 0

    @pl.when(is_tail_worker)
    def _tail_fire():
        pltpu.async_copy(vals_hbm.at[pl.ds(_MAIN, _TAIL)],
                         tv_v.at[pl.ds(0, _TAIL)], tsem)
        pltpu.async_copy(rand_hbm.at[pl.ds(_MAIN, _TAIL)],
                         tr_v.at[pl.ds(0, _TAIL)], tsem)

    hin = []
    for qo, qn in _STAGES:
        hin.append((
            pltpu.async_copy(vals_hbm.at[pl.ds(base + qo, qn)],
                             v_v.at[pl.ds(qo, qn)], sem),
            pltpu.async_copy(rand_hbm.at[pl.ds(base + qo, qn)],
                             r_v.at[pl.ds(qo, qn)], sem),
        ))

    @pl.when(is_tail_worker)
    def _tail_compute():
        pltpu.make_async_copy(vals_hbm.at[pl.ds(_MAIN, _TAIL)],
                              tv_v.at[pl.ds(0, _TAIL)], tsem).wait()
        pltpu.make_async_copy(rand_hbm.at[pl.ds(_MAIN, _TAIL)],
                              tr_v.at[pl.ds(0, _TAIL)], tsem).wait()
        for j in range(_TAIL_PAD // _LANES):
            o = j * _LANES
            tv_v[pl.ds(o, _LANES)] = _drop(tv_v[pl.ds(o, _LANES)],
                                           tr_v[pl.ds(o, _LANES)])
        pltpu.async_copy(tv_v.at[pl.ds(0, _TAIL)],
                         out_hbm.at[pl.ds(_MAIN, _TAIL)], tsem)

    hout = []
    for q, (qo, qn) in enumerate(_STAGES):
        hin[q][0].wait()
        hin[q][1].wait()

        @plsc.parallel_loop(qo, qo + qn, _LANES, unroll=8)
        def _main_q(o):
            o_v[pl.ds(o, _LANES)] = _drop(v_v[pl.ds(o, _LANES)],
                                          r_v[pl.ds(o, _LANES)])

        hout.append(pltpu.async_copy(o_v.at[pl.ds(qo, qn)],
                                     out_hbm.at[pl.ds(base + qo, qn)],
                                     sem_b))

    @pl.when(is_tail_worker)
    def _tail_drain():
        pltpu.make_async_copy(tv_v.at[pl.ds(0, _TAIL)],
                              out_hbm.at[pl.ds(_MAIN, _TAIL)], tsem).wait()

    for h in hout:
        h.wait()


_dropout_sc = functools.partial(
    pl.kernel,
    out_type=jax.ShapeDtypeStruct((_NNZ,), jnp.float32),
    mesh=plsc.VectorSubcoreMesh(core_axis_name="c", subcore_axis_name="s",
                                num_cores=_NC),
    scratch_types=[
        pltpu.VMEM((_C,), jnp.float32),
        pltpu.VMEM((_C,), jnp.float32),
        pltpu.VMEM((_C,), jnp.float32),
        pltpu.VMEM((_TAIL_PAD,), jnp.float32),
        pltpu.VMEM((_TAIL_PAD,), jnp.float32),
        pltpu.SemaphoreType.DMA,
        pltpu.SemaphoreType.DMA,
        pltpu.SemaphoreType.DMA,
    ],
)(_dropout_body)


def kernel(x_indices, x_values, rand_vals):
    out_values = _dropout_sc(x_values, rand_vals)
    return x_indices, out_values

# --- scband reference (transcript-rebuilt; emitter-appended) ---
"""Pipeline reference for scband-dropout-sparse-90915867721942 (READ-ONLY COPY).

The authoritative reference and input builder live on the scoring server;
editing this copy changes nothing except your own understanding.
"""

import jax, jax.numpy as jnp
import numpy as np

DROPOUT = 0.1
KEEP_PROB = 1.0 - DROPOUT
NNZ = 268435
N = 16384


def setup_inputs(seed: int = 0) -> dict:
    key = jax.random.key(seed)
    k1, k2, k3 = jax.random.split(key, 3)
    x_indices = jax.random.randint(k1, (2, NNZ), 0, N, dtype=jnp.int32)
    x_values = jax.random.normal(k2, (NNZ,), dtype=jnp.float32)
    # the torch module draws torch.rand([feats_nonzero]) inside forward; we
    # materialize that randomness here as an explicit input for reproducibility
    rand_vals = jax.random.uniform(k3, (NNZ,), dtype=jnp.float32)
    return {"x_indices": x_indices, "x_values": x_values, "rand_vals": rand_vals}


def reference(x_indices, x_values, rand_vals):
    # random_tensor = keep_prob + rand; floor -> bool mask (keeps each nnz w.p. keep_prob)
    random_tensor = KEEP_PROB + rand_vals
    dropout_mask = jnp.floor(random_tensor).astype(bool)
    # torch version gathers surviving (index, value) pairs into a smaller sparse
    # tensor. JAX requires static shapes, so we return the mathematically
    # equivalent sparse tensor with explicit zeros at dropped positions: the
    # indices are unchanged and dropped values become 0, survivors are rescaled.
    out_values = jnp.where(dropout_mask, x_values, 0.0) * (1.0 / KEEP_PROB)
    return x_indices, out_values

if __name__ == "__main__":
    import jax
    _d = setup_inputs()
    print(jax.jit(kernel)(*tuple(_d.values())))

</pallas_src>

<mosaic_0001>
#map = affine_map<(d0, d1) -> (0)>
module attributes {stable_mosaic.version = 14 : i64} {
  func.func @_dropout_body(%arg0: i32, %arg1: i32, %arg2: memref<268435xf32, #tpu.memory_space<hbm>>, %arg3: memref<268435xf32, #tpu.memory_space<hbm>>, %arg4: memref<268435xf32, #tpu.memory_space<hbm>>, %arg5: memref<16768xf32, #tpu.memory_space<vmem>>, %arg6: memref<16768xf32, #tpu.memory_space<vmem>>, %arg7: memref<16768xf32, #tpu.memory_space<vmem>>, %arg8: memref<160xf32, #tpu.memory_space<vmem>>, %arg9: memref<160xf32, #tpu.memory_space<vmem>>, %arg10: memref<!tpu.dma_semaphore, #tpu.memory_space<semaphore_mem>>, %arg11: memref<!tpu.dma_semaphore, #tpu.memory_space<semaphore_mem>>, %arg12: memref<!tpu.dma_semaphore, #tpu.memory_space<semaphore_mem>>) attributes {dimension_semantics = [#tpu.dimension_semantics<core_parallel>, #tpu.dimension_semantics<subcore_parallel>], iteration_bounds = array<i64: 1, 16>, scalar_prefetch = 0 : i64, scratch_operands = 8 : i64, tpu.core_type = #tpu.core_type<sc_vector_subcore>, window_params = [{transform_indices = #map}, {transform_indices = #map}, {transform_indices = #map}]} {
    %mul3A = arith.constant 1 : i32
    %mul3A_0 = arith.muli %arg1, %mul3A : i32
    %add3A = arith.addi %mul3A_0, %arg0 : i32
    %mul3A_1 = arith.constant 16768 : i32
    %mul3A_2 = arith.muli %add3A, %mul3A_1 : i32
    %eq3A = arith.constant 0 : i32
    %eq3A_3 = arith.cmpi eq, %add3A, %eq3A : i32
    %convert_element_type3A = arith.extui %eq3A_3 : i1 to i32
    %cond3A = arith.constant 0 : i32
    %cond3A_4 = arith.cmpi ne, %convert_element_type3A, %cond3A : i32
    scf.if %cond3A_4 {
      %dma_start3A_188 = arith.constant 0 : i32
      %dma_start3A_189 = tpu.memref_slice %arg8[%dma_start3A_188] : memref<160xf32, #tpu.memory_space<vmem>> -> memref<147xf32, #tpu.memory_space<vmem>>
      %dma_start3A_190 = arith.constant 268288 : i32
      %dma_start3A_191 = tpu.memref_slice %arg2[%dma_start3A_190] : memref<268435xf32, #tpu.memory_space<hbm>> -> memref<147xf32, #tpu.memory_space<hbm>>
      %dma_start3A_192 = arith.constant 0 : i32
      %dma_start3A_193 = tpu.memref_slice %arg8[%dma_start3A_192] : memref<160xf32, #tpu.memory_space<vmem>> -> memref<147xf32, #tpu.memory_space<vmem>>
      %dma_start3A_194 = arith.constant 268288 : i32
      %dma_start3A_195 = tpu.memref_slice %arg2[%dma_start3A_194] : memref<268435xf32, #tpu.memory_space<hbm>> -> memref<147xf32, #tpu.memory_space<hbm>>
      tpu.enqueue_dma source(%dma_start3A_195 : memref<147xf32, #tpu.memory_space<hbm>>) target(%dma_start3A_193 : memref<147xf32, #tpu.memory_space<vmem>>) target_semaphore(%arg12 : memref<!tpu.dma_semaphore, #tpu.memory_space<semaphore_mem>>)
      %dma_start3A_196 = arith.constant 0 : i32
      %dma_start3A_197 = tpu.memref_slice %arg9[%dma_start3A_196] : memref<160xf32, #tpu.memory_space<vmem>> -> memref<147xf32, #tpu.memory_space<vmem>>
      %dma_start3A_198 = arith.constant 268288 : i32
      %dma_start3A_199 = tpu.memref_slice %arg3[%dma_start3A_198] : memref<268435xf32, #tpu.memory_space<hbm>> -> memref<147xf32, #tpu.memory_space<hbm>>
      %dma_start3A_200 = arith.constant 0 : i32
      %dma_start3A_201 = tpu.memref_slice %arg9[%dma_start3A_200] : memref<160xf32, #tpu.memory_space<vmem>> -> memref<147xf32, #tpu.memory_space<vmem>>
      %dma_start3A_202 = arith.constant 268288 : i32
      %dma_start3A_203 = tpu.memref_slice %arg3[%dma_start3A_202] : memref<268435xf32, #tpu.memory_space<hbm>> -> memref<147xf32, #tpu.memory_space<hbm>>
      tpu.enqueue_dma source(%dma_start3A_203 : memref<147xf32, #tpu.memory_space<hbm>>) target(%dma_start3A_201 : memref<147xf32, #tpu.memory_space<vmem>>) target_semaphore(%arg12 : memref<!tpu.dma_semaphore, #tpu.memory_space<semaphore_mem>>)
    } else {
    }
    %add3A_5 = arith.constant 0 : i32
    %add3A_6 = arith.addi %mul3A_2, %add3A_5 : i32
    %dma_start3A = arith.constant 0 : i32
    %dma_start3A_7 = tpu.memref_slice %arg5[%dma_start3A] : memref<16768xf32, #tpu.memory_space<vmem>> -> memref<6288xf32, #tpu.memory_space<vmem>>
    %dma_start3A_8 = tpu.memref_slice %arg2[%add3A_6] : memref<268435xf32, #tpu.memory_space<hbm>> -> memref<6288xf32, #tpu.memory_space<hbm>>
    %dma_start3A_9 = arith.constant 0 : i32
    %dma_start3A_10 = tpu.memref_slice %arg5[%dma_start3A_9] : memref<16768xf32, #tpu.memory_space<vmem>> -> memref<6288xf32, #tpu.memory_space<vmem>>
    %dma_start3A_11 = tpu.memref_slice %arg2[%add3A_6] : memref<268435xf32, #tpu.memory_space<hbm>> -> memref<6288xf32, #tpu.memory_space<hbm>>
    tpu.enqueue_dma source(%dma_start3A_11 : memref<6288xf32, #tpu.memory_space<hbm>>) target(%dma_start3A_10 : memref<6288xf32, #tpu.memory_space<vmem>>) target_semaphore(%arg10 : memref<!tpu.dma_semaphore, #tpu.memory_space<semaphore_mem>>)
    %add3A_12 = arith.constant 0 : i32
    %add3A_13 = arith.addi %mul3A_2, %add3A_12 : i32
    %dma_start3A_14 = arith.constant 0 : i32
    %dma_start3A_15 = tpu.memref_slice %arg6[%dma_start3A_14] : memref<16768xf32, #tpu.memory_space<vmem>> -> memref<6288xf32, #tpu.memory_space<vmem>>
    %dma_start3A_16 = tpu.memref_slice %arg3[%add3A_13] : memref<268435xf32, #tpu.memory_space<hbm>> -> memref<6288xf32, #tpu.memory_space<hbm>>
    %dma_start3A_17 = arith.constant 0 : i32
    %dma_start3A_18 = tpu.memref_slice %arg6[%dma_start3A_17] : memref<16768xf32, #tpu.memory_space<vmem>> -> memref<6288xf32, #tpu.memory_space<vmem>>
    %dma_start3A_19 = tpu.memref_slice %arg3[%add3A_13] : memref<268435xf32, #tpu.memory_space<hbm>> -> memref<6288xf32, #tpu.memory_space<hbm>>
    tpu.enqueue_dma source(%dma_start3A_19 : memref<6288xf32, #tpu.memory_space<hbm>>) target(%dma_start3A_18 : memref<6288xf32, #tpu.memory_space<vmem>>) target_semaphore(%arg10 : memref<!tpu.dma_semaphore, #tpu.memory_space<semaphore_mem>>)
    %add3A_20 = arith.constant 6288 : i32
    %add3A_21 = arith.addi %mul3A_2, %add3A_20 : i32
    %dma_start3A_22 = arith.constant 6288 : i32
    %dma_start3A_23 = tpu.memref_slice %arg5[%dma_start3A_22] : memref<16768xf32, #tpu.memory_space<vmem>> -> memref<6288xf32, #tpu.memory_space<vmem>>
    %dma_start3A_24 = tpu.memref_slice %arg2[%add3A_21] : memref<268435xf32, #tpu.memory_space<hbm>> -> memref<6288xf32, #tpu.memory_space<hbm>>
    %dma_start3A_25 = arith.constant 6288 : i32
    %dma_start3A_26 = tpu.memref_slice %arg5[%dma_start3A_25] : memref<16768xf32, #tpu.memory_space<vmem>> -> memref<6288xf32, #tpu.memory_space<vmem>>
    %dma_start3A_27 = tpu.memref_slice %arg2[%add3A_21] : memref<268435xf32, #tpu.memory_space<hbm>> -> memref<6288xf32, #tpu.memory_space<hbm>>
    tpu.enqueue_dma source(%dma_start3A_27 : memref<6288xf32, #tpu.memory_space<hbm>>) target(%dma_start3A_26 : memref<6288xf32, #tpu.memory_space<vmem>>) target_semaphore(%arg10 : memref<!tpu.dma_semaphore, #tpu.memory_space<semaphore_mem>>)
    %add3A_28 = arith.constant 6288 : i32
    %add3A_29 = arith.addi %mul3A_2, %add3A_28 : i32
    %dma_start3A_30 = arith.constant 6288 : i32
    %dma_start3A_31 = tpu.memref_slice %arg6[%dma_start3A_30] : memref<16768xf32, #tpu.memory_space<vmem>> -> memref<6288xf32, #tpu.memory_space<vmem>>
    %dma_start3A_32 = tpu.memref_slice %arg3[%add3A_29] : memref<268435xf32, #tpu.memory_space<hbm>> -> memref<6288xf32, #tpu.memory_space<hbm>>
    %dma_start3A_33 = arith.constant 6288 : i32
    %dma_start3A_34 = tpu.memref_slice %arg6[%dma_start3A_33] : memref<16768xf32, #tpu.memory_space<vmem>> -> memref<6288xf32, #tpu.memory_space<vmem>>
    %dma_start3A_35 = tpu.memref_slice %arg3[%add3A_29] : memref<268435xf32, #tpu.memory_space<hbm>> -> memref<6288xf32, #tpu.memory_space<hbm>>
    tpu.enqueue_dma source(%dma_start3A_35 : memref<6288xf32, #tpu.memory_space<hbm>>) target(%dma_start3A_34 : memref<6288xf32, #tpu.memory_space<vmem>>) target_semaphore(%arg10 : memref<!tpu.dma_semaphore, #tpu.memory_space<semaphore_mem>>)
    %add3A_36 = arith.constant 12576 : i32
    %add3A_37 = arith.addi %mul3A_2, %add3A_36 : i32
    %dma_start3A_38 = arith.constant 12576 : i32
    %dma_start3A_39 = tpu.memref_slice %arg5[%dma_start3A_38] : memref<16768xf32, #tpu.memory_space<vmem>> -> memref<2096xf32, #tpu.memory_space<vmem>>
    %dma_start3A_40 = tpu.memref_slice %arg2[%add3A_37] : memref<268435xf32, #tpu.memory_space<hbm>> -> memref<2096xf32, #tpu.memory_space<hbm>>
    %dma_start3A_41 = arith.constant 12576 : i32
    %dma_start3A_42 = tpu.memref_slice %arg5[%dma_start3A_41] : memref<16768xf32, #tpu.memory_space<vmem>> -> memref<2096xf32, #tpu.memory_space<vmem>>
    %dma_start3A_43 = tpu.memref_slice %arg2[%add3A_37] : memref<268435xf32, #tpu.memory_space<hbm>> -> memref<2096xf32, #tpu.memory_space<hbm>>
    tpu.enqueue_dma source(%dma_start3A_43 : memref<2096xf32, #tpu.memory_space<hbm>>) target(%dma_start3A_42 : memref<2096xf32, #tpu.memory_space<vmem>>) target_semaphore(%arg10 : memref<!tpu.dma_semaphore, #tpu.memory_space<semaphore_mem>>)
    %add3A_44 = arith.constant 12576 : i32
    %add3A_45 = arith.addi %mul3A_2, %add3A_44 : i32
    %dma_start3A_46 = arith.constant 12576 : i32
    %dma_start3A_47 = tpu.memref_slice %arg6[%dma_start3A_46] : memref<16768xf32, #tpu.memory_space<vmem>> -> memref<2096xf32, #tpu.memory_space<vmem>>
    %dma_start3A_48 = tpu.memref_slice %arg3[%add3A_45] : memref<268435xf32, #tpu.memory_space<hbm>> -> memref<2096xf32, #tpu.memory_space<hbm>>
    %dma_start3A_49 = arith.constant 12576 : i32
    %dma_start3A_50 = tpu.memref_slice %arg6[%dma_start3A_49] : memref<16768xf32, #tpu.memory_space<vmem>> -> memref<2096xf32, #tpu.memory_space<vmem>>
    %dma_start3A_51 = tpu.memref_slice %arg3[%add3A_45] : memref<268435xf32, #tpu.memory_space<hbm>> -> memref<2096xf32, #tpu.memory_space<hbm>>
    tpu.enqueue_dma source(%dma_start3A_51 : memref<2096xf32, #tpu.memory_space<hbm>>) target(%dma_start3A_50 : memref<2096xf32, #tpu.memory_space<vmem>>) target_semaphore(%arg10 : memref<!tpu.dma_semaphore, #tpu.memory_space<semaphore_mem>>)
    %add3A_52 = arith.constant 14672 : i32
    %add3A_53 = arith.addi %mul3A_2, %add3A_52 : i32
    %dma_start3A_54 = arith.constant 14672 : i32
    %dma_start3A_55 = tpu.memref_slice %arg5[%dma_start3A_54] : memref<16768xf32, #tpu.memory_space<vmem>> -> memref<2096xf32, #tpu.memory_space<vmem>>
    %dma_start3A_56 = tpu.memref_slice %arg2[%add3A_53] : memref<268435xf32, #tpu.memory_space<hbm>> -> memref<2096xf32, #tpu.memory_space<hbm>>
    %dma_start3A_57 = arith.constant 14672 : i32
    %dma_start3A_58 = tpu.memref_slice %arg5[%dma_start3A_57] : memref<16768xf32, #tpu.memory_space<vmem>> -> memref<2096xf32, #tpu.memory_space<vmem>>
    %dma_start3A_59 = tpu.memref_slice %arg2[%add3A_53] : memref<268435xf32, #tpu.memory_space<hbm>> -> memref<2096xf32, #tpu.memory_space<hbm>>
    tpu.enqueue_dma source(%dma_start3A_59 : memref<2096xf32, #tpu.memory_space<hbm>>) target(%dma_start3A_58 : memref<2096xf32, #tpu.memory_space<vmem>>) target_semaphore(%arg10 : memref<!tpu.dma_semaphore, #tpu.memory_space<semaphore_mem>>)
    %add3A_60 = arith.constant 14672 : i32
    %add3A_61 = arith.addi %mul3A_2, %add3A_60 : i32
    %dma_start3A_62 = arith.constant 14672 : i32
    %dma_start3A_63 = tpu.memref_slice %arg6[%dma_start3A_62] : memref<16768xf32, #tpu.memory_space<vmem>> -> memref<2096xf32, #tpu.memory_space<vmem>>
    %dma_start3A_64 = tpu.memref_slice %arg3[%add3A_61] : memref<268435xf32, #tpu.memory_space<hbm>> -> memref<2096xf32, #tpu.memory_space<hbm>>
    %dma_start3A_65 = arith.constant 14672 : i32
    %dma_start3A_66 = tpu.memref_slice %arg6[%dma_start3A_65] : memref<16768xf32, #tpu.memory_space<vmem>> -> memref<2096xf32, #tpu.memory_space<vmem>>
    %dma_start3A_67 = tpu.memref_slice %arg3[%add3A_61] : memref<268435xf32, #tpu.memory_space<hbm>> -> memref<2096xf32, #tpu.memory_space<hbm>>
    tpu.enqueue_dma source(%dma_start3A_67 : memref<2096xf32, #tpu.memory_space<hbm>>) target(%dma_start3A_66 : memref<2096xf32, #tpu.memory_space<vmem>>) target_semaphore(%arg10 : memref<!tpu.dma_semaphore, #tpu.memory_space<semaphore_mem>>)
    %convert_element_type3A_68 = arith.extui %eq3A_3 : i1 to i32
    %cond3A_69 = arith.constant 0 : i32
    %cond3A_70 = arith.cmpi ne, %convert_element_type3A_68, %cond3A_69 : i32
    scf.if %cond3A_70 {
      %dma_wait3A_188 = arith.constant 0 : i32
      %dma_wait3A_189 = tpu.memref_slice %arg8[%dma_wait3A_188] : memref<160xf32, #tpu.memory_space<vmem>> -> memref<147xf32, #tpu.memory_space<vmem>>
      %dma_wait3A_190 = arith.constant 268288 : i32
      %dma_wait3A_191 = tpu.memref_slice %arg2[%dma_wait3A_190] : memref<268435xf32, #tpu.memory_space<hbm>> -> memref<147xf32, #tpu.memory_space<hbm>>
      %dma_wait3A_192 = arith.constant 0 : i32
      %dma_wait3A_193 = tpu.memref_slice %arg8[%dma_wait3A_192] : memref<160xf32, #tpu.memory_space<vmem>> -> memref<147xf32, #tpu.memory_space<vmem>>
      %dma_wait3A_194 = arith.constant 268288 : i32
      %dma_wait3A_195 = tpu.memref_slice %arg2[%dma_wait3A_194] : memref<268435xf32, #tpu.memory_space<hbm>> -> memref<147xf32, #tpu.memory_space<hbm>>
      tpu.wait_dma2 semaphore(%arg12 : memref<!tpu.dma_semaphore, #tpu.memory_space<semaphore_mem>>) src(%dma_wait3A_195 : memref<147xf32, #tpu.memory_space<hbm>>) dst(%dma_wait3A_193 : memref<147xf32, #tpu.memory_space<vmem>>)
      %dma_wait3A_196 = arith.constant 0 : i32
      %dma_wait3A_197 = tpu.memref_slice %arg9[%dma_wait3A_196] : memref<160xf32, #tpu.memory_space<vmem>> -> memref<147xf32, #tpu.memory_space<vmem>>
      %dma_wait3A_198 = arith.constant 268288 : i32
      %dma_wait3A_199 = tpu.memref_slice %arg3[%dma_wait3A_198] : memref<268435xf32, #tpu.memory_space<hbm>> -> memref<147xf32, #tpu.memory_space<hbm>>
      %dma_wait3A_200 = arith.constant 0 : i32
      %dma_wait3A_201 = tpu.memref_slice %arg9[%dma_wait3A_200] : memref<160xf32, #tpu.memory_space<vmem>> -> memref<147xf32, #tpu.memory_space<vmem>>
      %dma_wait3A_202 = arith.constant 268288 : i32
      %dma_wait3A_203 = tpu.memref_slice %arg3[%dma_wait3A_202] : memref<268435xf32, #tpu.memory_space<hbm>> -> memref<147xf32, #tpu.memory_space<hbm>>
      tpu.wait_dma2 semaphore(%arg12 : memref<!tpu.dma_semaphore, #tpu.memory_space<semaphore_mem>>) src(%dma_wait3A_203 : memref<147xf32, #tpu.memory_space<hbm>>) dst(%dma_wait3A_201 : memref<147xf32, #tpu.memory_space<vmem>>)
      %get3A = arith.constant 0 : index
      %get3A_204 = tpu.vector_load %arg8[%get3A] {strides = array<i32>} : memref<160xf32, #tpu.memory_space<vmem>>, vector<16xf32>,
      %get3A_205 = vector.shape_cast %get3A_204 : vector<16xf32> to vector<16xf32>
      %get3A_206 = arith.constant 0 : index
      %get3A_207 = tpu.vector_load %arg9[%get3A_206] {strides = array<i32>} : memref<160xf32, #tpu.memory_space<vmem>>, vector<16xf32>,
      %get3A_208 = vector.shape_cast %get3A_207 : vector<16xf32> to vector<16xf32>
      %add3A_209 = arith.constant 0.899999976 : f32
      %add3A_210 = vector.broadcast %add3A_209 : f32 to vector<16xf32>
      %add3A_211 = arith.addf %get3A_208, %add3A_210 : vector<16xf32>
      %ge3A = arith.constant 1.000000e+00 : f32
      %ge3A_212 = vector.broadcast %ge3A : f32 to vector<16xf32>
      %ge3A_213 = arith.cmpf oge, %add3A_211, %ge3A_212 : vector<16xf32>
      %mul3A_214 = arith.constant 1.11111116 : f32
      %mul3A_215 = vector.broadcast %mul3A_214 : f32 to vector<16xf32>
      %mul3A_216 = arith.mulf %get3A_205, %mul3A_215 : vector<16xf32>
      %jit3A = arith.constant 0.000000e+00 : f32
      %broadcast_in_dim3A = vector.broadcast %jit3A : f32 to vector<16xf32>
      %select_n3A = arith.select %ge3A_213, %mul3A_216, %broadcast_in_dim3A : vector<16xi1>, vector<16xf32>
      %swap3A = arith.constant 0 : index
      %swap3A_217 = tpu.vector_load %arg8[%swap3A] {strides = array<i32>} : memref<160xf32, #tpu.memory_space<vmem>>, vector<16xf32>,
      %swap3A_218 = vector.shape_cast %swap3A_217 : vector<16xf32> to vector<16xf32>
      %swap3A_219 = vector.shape_cast %select_n3A : vector<16xf32> to vector<16xf32>
      tpu.vector_store %arg8[%swap3A], %swap3A_219 {strides = array<i32>} : memref<160xf32, #tpu.memory_space<vmem>>, vector<16xf32>,
      %get3A_220 = arith.constant 16 : index
      %get3A_221 = tpu.vector_load %arg8[%get3A_220] {strides = array<i32>} : memref<160xf32, #tpu.memory_space<vmem>>, vector<16xf32>,
      %get3A_222 = vector.shape_cast %get3A_221 : vector<16xf32> to vector<16xf32>
      %get3A_223 = arith.constant 16 : index
      %get3A_224 = tpu.vector_load %arg9[%get3A_223] {strides = array<i32>} : memref<160xf32, #tpu.memory_space<vmem>>, vector<16xf32>,
      %get3A_225 = vector.shape_cast %get3A_224 : vector<16xf32> to vector<16xf32>
      %add3A_226 = arith.constant 0.899999976 : f32
      %add3A_227 = vector.broadcast %add3A_226 : f32 to vector<16xf32>
      %add3A_228 = arith.addf %get3A_225, %add3A_227 : vector<16xf32>
      %ge3A_229 = arith.constant 1.000000e+00 : f32
      %ge3A_230 = vector.broadcast %ge3A_229 : f32 to vector<16xf32>
      %ge3A_231 = arith.cmpf oge, %add3A_228, %ge3A_230 : vector<16xf32>
      %mul3A_232 = arith.constant 1.11111116 : f32
      %mul3A_233 = vector.broadcast %mul3A_232 : f32 to vector<16xf32>
      %mul3A_234 = arith.mulf %get3A_222, %mul3A_233 : vector<16xf32>
      %jit3A_235 = arith.constant 0.000000e+00 : f32
      %broadcast_in_dim3A_236 = vector.broadcast %jit3A_235 : f32 to vector<16xf32>
      %select_n3A_237 = arith.select %ge3A_231, %mul3A_234, %broadcast_in_dim3A_236 : vector<16xi1>, vector<16xf32>
      %swap3A_238 = arith.constant 16 : index
      %swap3A_239 = tpu.vector_load %arg8[%swap3A_238] {strides = array<i32>} : memref<160xf32, #tpu.memory_space<vmem>>, vector<16xf32>,
      %swap3A_240 = vector.shape_cast %swap3A_239 : vector<16xf32> to vector<16xf32>
      %swap3A_241 = vector.shape_cast %select_n3A_237 : vector<16xf32> to vector<16xf32>
      tpu.vector_store %arg8[%swap3A_238], %swap3A_241 {strides = array<i32>} : memref<160xf32, #tpu.memory_space<vmem>>, vector<16xf32>,
      %get3A_242 = arith.constant 32 : index
      %get3A_243 = tpu.vector_load %arg8[%get3A_242] {strides = array<i32>} : memref<160xf32, #tpu.memory_space<vmem>>, vector<16xf32>,
      %get3A_244 = vector.shape_cast %get3A_243 : vector<16xf32> to vector<16xf32>
      %get3A_245 = arith.constant 32 : index
      %get3A_246 = tpu.vector_load %arg9[%get3A_245] {strides = array<i32>} : memref<160xf32, #tpu.memory_space<vmem>>, vector<16xf32>,
      %get3A_247 = vector.shape_cast %get3A_246 : vector<16xf32> to vector<16xf32>
      %add3A_248 = arith.constant 0.899999976 : f32
      %add3A_249 = vector.broadcast %add3A_248 : f32 to vector<16xf32>
      %add3A_250 = arith.addf %get3A_247, %add3A_249 : vector<16xf32>
      %ge3A_251 = arith.constant 1.000000e+00 : f32
      %ge3A_252 = vector.broadcast %ge3A_251 : f32 to vector<16xf32>
      %ge3A_253 = arith.cmpf oge, %add3A_250, %ge3A_252 : vector<16xf32>
      %mul3A_254 = arith.constant 1.11111116 : f32
      %mul3A_255 = vector.broadcast %mul3A_254 : f32 to vector<16xf32>
      %mul3A_256 = arith.mulf %get3A_244, %mul3A_255 : vector<16xf32>
      %jit3A_257 = arith.constant 0.000000e+00 : f32
      %broadcast_in_dim3A_258 = vector.broadcast %jit3A_257 : f32 to vector<16xf32>
      %select_n3A_259 = arith.select %ge3A_253, %mul3A_256, %broadcast_in_dim3A_258 : vector<16xi1>, vector<16xf32>
      %swap3A_260 = arith.constant 32 : index
      %swap3A_261 = tpu.vector_load %arg8[%swap3A_260] {strides = array<i32>} : memref<160xf32, #tpu.memory_space<vmem>>, vector<16xf32>,
      %swap3A_262 = vector.shape_cast %swap3A_261 : vector<16xf32> to vector<16xf32>
      %swap3A_263 = vector.shape_cast %select_n3A_259 : vector<16xf32> to vector<16xf32>
      tpu.vector_store %arg8[%swap3A_260], %swap3A_263 {strides = array<i32>} : memref<160xf32, #tpu.memory_space<vmem>>, vector<16xf32>,
      %get3A_264 = arith.constant 48 : index
      %get3A_265 = tpu.vector_load %arg8[%get3A_264] {strides = array<i32>} : memref<160xf32, #tpu.memory_space<vmem>>, vector<16xf32>,
      %get3A_266 = vector.shape_cast %get3A_265 : vector<16xf32> to vector<16xf32>
      %get3A_267 = arith.constant 48 : index
      %get3A_268 = tpu.vector_load %arg9[%get3A_267] {strides = array<i32>} : memref<160xf32, #tpu.memory_space<vmem>>, vector<16xf32>,
      %get3A_269 = vector.shape_cast %get3A_268 : vector<16xf32> to vector<16xf32>
      %add3A_270 = arith.constant 0.899999976 : f32
      %add3A_271 = vector.broadcast %add3A_270 : f32 to vector<16xf32>
      %add3A_272 = arith.addf %get3A_269, %add3A_271 : vector<16xf32>
      %ge3A_273 = arith.constant 1.000000e+00 : f32
      %ge3A_274 = vector.broadcast %ge3A_273 : f32 to vector<16xf32>
      %ge3A_275 = arith.cmpf oge, %add3A_272, %ge3A_274 : vector<16xf32>
      %mul3A_276 = arith.constant 1.11111116 : f32
      %mul3A_277 = vector.broadcast %mul3A_276 : f32 to vector<16xf32>
      %mul3A_278 = arith.mulf %get3A_266, %mul3A_277 : vector<16xf32>
      %jit3A_279 = arith.constant 0.000000e+00 : f32
      %broadcast_in_dim3A_280 = vector.broadcast %jit3A_279 : f32 to vector<16xf32>
      %select_n3A_281 = arith.select %ge3A_275, %mul3A_278, %broadcast_in_dim3A_280 : vector<16xi1>, vector<16xf32>
      %swap3A_282 = arith.constant 48 : index
      %swap3A_283 = tpu.vector_load %arg8[%swap3A_282] {strides = array<i32>} : memref<160xf32, #tpu.memory_space<vmem>>, vector<16xf32>,
      %swap3A_284 = vector.shape_cast %swap3A_283 : vector<16xf32> to vector<16xf32>
      %swap3A_285 = vector.shape_cast %select_n3A_281 : vector<16xf32> to vector<16xf32>
      tpu.vector_store %arg8[%swap3A_282], %swap3A_285 {strides = array<i32>} : memref<160xf32, #tpu.memory_space<vmem>>, vector<16xf32>,
      %get3A_286 = arith.constant 64 : index
      %get3A_287 = tpu.vector_load %arg8[%get3A_286] {strides = array<i32>} : memref<160xf32, #tpu.memory_space<vmem>>, vector<16xf32>,
      %get3A_288 = vector.shape_cast %get3A_287 : vector<16xf32> to vector<16xf32>
      %get3A_289 = arith.constant 64 : index
      %get3A_290 = tpu.vector_load %arg9[%get3A_289] {strides = array<i32>} : memref<160xf32, #tpu.memory_space<vmem>>, vector<16xf32>,
      %get3A_291 = vector.shape_cast %get3A_290 : vector<16xf32> to vector<16xf32>
      %add3A_292 = arith.constant 0.899999976 : f32
      %add3A_293 = vector.broadcast %add3A_292 : f32 to vector<16xf32>
      %add3A_294 = arith.addf %get3A_291, %add3A_293 : vector<16xf32>
      %ge3A_295 = arith.constant 1.000000e+00 : f32
      %ge3A_296 = vector.broadcast %ge3A_295 : f32 to vector<16xf32>
      %ge3A_297 = arith.cmpf oge, %add3A_294, %ge3A_296 : vector<16xf32>
      %mul3A_298 = arith.constant 1.11111116 : f32
      %mul3A_299 = vector.broadcast %mul3A_298 : f32 to vector<16xf32>
      %mul3A_300 = arith.mulf %get3A_288, %mul3A_299 : vector<16xf32>
      %jit3A_301 = arith.constant 0.000000e+00 : f32
      %broadcast_in_dim3A_302 = vector.broadcast %jit3A_301 : f32 to vector<16xf32>
      %select_n3A_303 = arith.select %ge3A_297, %mul3A_300, %broadcast_in_dim3A_302 : vector<16xi1>, vector<16xf32>
      %swap3A_304 = arith.constant 64 : index
      %swap3A_305 = tpu.vector_load %arg8[%swap3A_304] {strides = array<i32>} : memref<160xf32, #tpu.memory_space<vmem>>, vector<16xf32>,
      %swap3A_306 = vector.shape_cast %swap3A_305 : vector<16xf32> to vector<16xf32>
      %swap3A_307 = vector.shape_cast %select_n3A_303 : vector<16xf32> to vector<16xf32>
      tpu.vector_store %arg8[%swap3A_304], %swap3A_307 {strides = array<i32>} : memref<160xf32, #tpu.memory_space<vmem>>, vector<16xf32>,
      %get3A_308 = arith.constant 80 : index
      %get3A_309 = tpu.vector_load %arg8[%get3A_308] {strides = array<i32>} : memref<160xf32, #tpu.memory_space<vmem>>, vector<16xf32>,
      %get3A_310 = vector.shape_cast %get3A_309 : vector<16xf32> to vector<16xf32>
      %get3A_311 = arith.constant 80 : index
      %get3A_312 = tpu.vector_load %arg9[%get3A_311] {strides = array<i32>} : memref<160xf32, #tpu.memory_space<vmem>>, vector<16xf32>,
      %get3A_313 = vector.shape_cast %get3A_312 : vector<16xf32> to vector<16xf32>
      %add3A_314 = arith.constant 0.899999976 : f32
      %add3A_315 = vector.broadcast %add3A_314 : f32 to vector<16xf32>
      %add3A_316 = arith.addf %get3A_313, %add3A_315 : vector<16xf32>
      %ge3A_317 = arith.constant 1.000000e+00 : f32
      %ge3A_318 = vector.broadcast %ge3A_317 : f32 to vector<16xf32>
      %ge3A_319 = arith.cmpf oge, %add3A_316, %ge3A_318 : vector<16xf32>
      %mul3A_320 = arith.constant 1.11111116 : f32
      %mul3A_321 = vector.broadcast %mul3A_320 : f32 to vector<16xf32>
      %mul3A_322 = arith.mulf %get3A_310, %mul3A_321 : vector<16xf32>
      %jit3A_323 = arith.constant 0.000000e+00 : f32
      %broadcast_in_dim3A_324 = vector.broadcast %jit3A_323 : f32 to vector<16xf32>
      %select_n3A_325 = arith.select %ge3A_319, %mul3A_322, %broadcast_in_dim3A_324 : vector<16xi1>, vector<16xf32>
      %swap3A_326 = arith.constant 80 : index
      %swap3A_327 = tpu.vector_load %arg8[%swap3A_326] {strides = array<i32>} : memref<160xf32, #tpu.memory_space<vmem>>, vector<16xf32>,
      %swap3A_328 = vector.shape_cast %swap3A_327 : vector<16xf32> to vector<16xf32>
      %swap3A_329 = vector.shape_cast %select_n3A_325 : vector<16xf32> to vector<16xf32>
      tpu.vector_store %arg8[%swap3A_326], %swap3A_329 {strides = array<i32>} : memref<160xf32, #tpu.memory_space<vmem>>, vector<16xf32>,
      %get3A_330 = arith.constant 96 : index
      %get3A_331 = tpu.vector_load %arg8[%get3A_330] {strides = array<i32>} : memref<160xf32, #tpu.memory_space<vmem>>, vector<16xf32>,
      %get3A_332 = vector.shape_cast %get3A_331 : vector<16xf32> to vector<16xf32>
      %get3A_333 = arith.constant 96 : index
      %get3A_334 = tpu.vector_load %arg9[%get3A_333] {strides = array<i32>} : memref<160xf32, #tpu.memory_space<vmem>>, vector<16xf32>,
      %get3A_335 = vector.shape_cast %get3A_334 : vector<16xf32> to vector<16xf32>
      %add3A_336 = arith.constant 0.899999976 : f32
      %add3A_337 = vector.broadcast %add3A_336 : f32 to vector<16xf32>
      %add3A_338 = arith.addf %get3A_335, %add3A_337 : vector<16xf32>
      %ge3A_339 = arith.constant 1.000000e+00 : f32
      %ge3A_340 = vector.broadcast %ge3A_339 : f32 to vector<16xf32>
      %ge3A_341 = arith.cmpf oge, %add3A_338, %ge3A_340 : vector<16xf32>
      %mul3A_342 = arith.constant 1.11111116 : f32
      %mul3A_343 = vector.broadcast %mul3A_342 : f32 to vector<16xf32>
      %mul3A_344 = arith.mulf %get3A_332, %mul3A_343 : vector<16xf32>
      %jit3A_345 = arith.constant 0.000000e+00 : f32
      %broadcast_in_dim3A_346 = vector.broadcast %jit3A_345 : f32 to vector<16xf32>
      %select_n3A_347 = arith.select %ge3A_341, %mul3A_344, %broadcast_in_dim3A_346 : vector<16xi1>, vector<16xf32>
      %swap3A_348 = arith.constant 96 : index
      %swap3A_349 = tpu.vector_load %arg8[%swap3A_348] {strides = array<i32>} : memref<160xf32, #tpu.memory_space<vmem>>, vector<16xf32>,
      %swap3A_350 = vector.shape_cast %swap3A_349 : vector<16xf32> to vector<16xf32>
      %swap3A_351 = vector.shape_cast %select_n3A_347 : vector<16xf32> to vector<16xf32>
      tpu.vector_store %arg8[%swap3A_348], %swap3A_351 {strides = array<i32>} : memref<160xf32, #tpu.memory_space<vmem>>, vector<16xf32>,
      %get3A_352 = arith.constant 112 : index
      %get3A_353 = tpu.vector_load %arg8[%get3A_352] {strides = array<i32>} : memref<160xf32, #tpu.memory_space<vmem>>, vector<16xf32>,
      %get3A_354 = vector.shape_cast %get3A_353 : vector<16xf32> to vector<16xf32>
      %get3A_355 = arith.constant 112 : index
      %get3A_356 = tpu.vector_load %arg9[%get3A_355] {strides = array<i32>} : memref<160xf32, #tpu.memory_space<vmem>>, vector<16xf32>,
      %get3A_357 = vector.shape_cast %get3A_356 : vector<16xf32> to vector<16xf32>
      %add3A_358 = arith.constant 0.899999976 : f32
      %add3A_359 = vector.broadcast %add3A_358 : f32 to vector<16xf32>
      %add3A_360 = arith.addf %get3A_357, %add3A_359 : vector<16xf32>
      %ge3A_361 = arith.constant 1.000000e+00 : f32
      %ge3A_362 = vector.broadcast %ge3A_361 : f32 to vector<16xf32>
      %ge3A_363 = arith.cmpf oge, %add3A_360, %ge3A_362 : vector<16xf32>
      %mul3A_364 = arith.constant 1.11111116 : f32
      %mul3A_365 = vector.broadcast %mul3A_364 : f32 to vector<16xf32>
      %mul3A_366 = arith.mulf %get3A_354, %mul3A_365 : vector<16xf32>
      %jit3A_367 = arith.constant 0.000000e+00 : f32
      %broadcast_in_dim3A_368 = vector.broadcast %jit3A_367 : f32 to vector<16xf32>
      %select_n3A_369 = arith.select %ge3A_363, %mul3A_366, %broadcast_in_dim3A_368 : vector<16xi1>, vector<16xf32>
      %swap3A_370 = arith.constant 112 : index
      %swap3A_371 = tpu.vector_load %arg8[%swap3A_370] {strides = array<i32>} : memref<160xf32, #tpu.memory_space<vmem>>, vector<16xf32>,
      %swap3A_372 = vector.shape_cast %swap3A_371 : vector<16xf32> to vector<16xf32>
      %swap3A_373 = vector.shape_cast %select_n3A_369 : vector<16xf32> to vector<16xf32>
      tpu.vector_store %arg8[%swap3A_370], %swap3A_373 {strides = array<i32>} : memref<160xf32, #tpu.memory_space<vmem>>, vector<16xf32>,
      %get3A_374 = arith.constant 128 : index
      %get3A_375 = tpu.vector_load %arg8[%get3A_374] {strides = array<i32>} : memref<160xf32, #tpu.memory_space<vmem>>, vector<16xf32>,
      %get3A_376 = vector.shape_cast %get3A_375 : vector<16xf32> to vector<16xf32>
      %get3A_377 = arith.constant 128 : index
      %get3A_378 = tpu.vector_load %arg9[%get3A_377] {strides = array<i32>} : memref<160xf32, #tpu.memory_space<vmem>>, vector<16xf32>,
      %get3A_379 = vector.shape_cast %get3A_378 : vector<16xf32> to vector<16xf32>
      %add3A_380 = arith.constant 0.899999976 : f32
      %add3A_381 = vector.broadcast %add3A_380 : f32 to vector<16xf32>
      %add3A_382 = arith.addf %get3A_379, %add3A_381 : vector<16xf32>
      %ge3A_383 = arith.constant 1.000000e+00 : f32
      %ge3A_384 = vector.broadcast %ge3A_383 : f32 to vector<16xf32>
      %ge3A_385 = arith.cmpf oge, %add3A_382, %ge3A_384 : vector<16xf32>
      %mul3A_386 = arith.constant 1.11111116 : f32
      %mul3A_387 = vector.broadcast %mul3A_386 : f32 to vector<16xf32>
      %mul3A_388 = arith.mulf %get3A_376, %mul3A_387 : vector<16xf32>
      %jit3A_389 = arith.constant 0.000000e+00 : f32
      %broadcast_in_dim3A_390 = vector.broadcast %jit3A_389 : f32 to vector<16xf32>
      %select_n3A_391 = arith.select %ge3A_385, %mul3A_388, %broadcast_in_dim3A_390 : vector<16xi1>, vector<16xf32>
      %swap3A_392 = arith.constant 128 : index
      %swap3A_393 = tpu.vector_load %arg8[%swap3A_392] {strides = array<i32>} : memref<160xf32, #tpu.memory_space<vmem>>, vector<16xf32>,
      %swap3A_394 = vector.shape_cast %swap3A_393 : vector<16xf32> to vector<16xf32>
      %swap3A_395 = vector.shape_cast %select_n3A_391 : vector<16xf32> to vector<16xf32>
      tpu.vector_store %arg8[%swap3A_392], %swap3A_395 {strides = array<i32>} : memref<160xf32, #tpu.memory_space<vmem>>, vector<16xf32>,
      %get3A_396 = arith.constant 144 : index
      %get3A_397 = tpu.vector_load %arg8[%get3A_396] {strides = array<i32>} : memref<160xf32, #tpu.memory_space<vmem>>, vector<16xf32>,
      %get3A_398 = vector.shape_cast %get3A_397 : vector<16xf32> to vector<16xf32>
      %get3A_399 = arith.constant 144 : index
      %get3A_400 = tpu.vector_load %arg9[%get3A_399] {strides = array<i32>} : memref<160xf32, #tpu.memory_space<vmem>>, vector<16xf32>,
      %get3A_401 = vector.shape_cast %get3A_400 : vector<16xf32> to vector<16xf32>
      %add3A_402 = arith.constant 0.899999976 : f32
      %add3A_403 = vector.broadcast %add3A_402 : f32 to vector<16xf32>
      %add3A_404 = arith.addf %get3A_401, %add3A_403 : vector<16xf32>
      %ge3A_405 = arith.constant 1.000000e+00 : f32
      %ge3A_406 = vector.broadcast %ge3A_405 : f32 to vector<16xf32>
      %ge3A_407 = arith.cmpf oge, %add3A_404, %ge3A_406 : vector<16xf32>
      %mul3A_408 = arith.constant 1.11111116 : f32
      %mul3A_409 = vector.broadcast %mul3A_408 : f32 to vector<16xf32>
      %mul3A_410 = arith.mulf %get3A_398, %mul3A_409 : vector<16xf32>
      %jit3A_411 = arith.constant 0.000000e+00 : f32
      %broadcast_in_dim3A_412 = vector.broadcast %jit3A_411 : f32 to vector<16xf32>
      %select_n3A_413 = arith.select %ge3A_407, %mul3A_410, %broadcast_in_dim3A_412 : vector<16xi1>, vector<16xf32>
      %swap3A_414 = arith.constant 144 : index
      %swap3A_415 = tpu.vector_load %arg8[%swap3A_414] {strides = array<i32>} : memref<160xf32, #tpu.memory_space<vmem>>, vector<16xf32>,
      %swap3A_416 = vector.shape_cast %swap3A_415 : vector<16xf32> to vector<16xf32>
      %swap3A_417 = vector.shape_cast %select_n3A_413 : vector<16xf32> to vector<16xf32>
      tpu.vector_store %arg8[%swap3A_414], %swap3A_417 {strides = array<i32>} : memref<160xf32, #tpu.memory_space<vmem>>, vector<16xf32>,
      %dma_start3A_418 = arith.constant 0 : i32
      %dma_start3A_419 = tpu.memref_slice %arg8[%dma_start3A_418] : memref<160xf32, #tpu.memory_space<vmem>> -> memref<147xf32, #tpu.memory_space<vmem>>
      %dma_start3A_420 = arith.constant 268288 : i32
      %dma_start3A_421 = tpu.memref_slice %arg4[%dma_start3A_420] : memref<268435xf32, #tpu.memory_space<hbm>> -> memref<147xf32, #tpu.memory_space<hbm>>
      %dma_start3A_422 = arith.constant 268288 : i32
      %dma_start3A_423 = tpu.memref_slice %arg4[%dma_start3A_422] : memref<268435xf32, #tpu.memory_space<hbm>> -> memref<147xf32, #tpu.memory_space<hbm>>
      %dma_start3A_424 = arith.constant 0 : i32
      %dma_start3A_425 = tpu.memref_slice %arg8[%dma_start3A_424] : memref<160xf32, #tpu.memory_space<vmem>> -> memref<147xf32, #tpu.memory_space<vmem>>
      tpu.enqueue_dma source(%dma_start3A_425 : memref<147xf32, #tpu.memory_space<vmem>>) target(%dma_start3A_423 : memref<147xf32, #tpu.memory_space<hbm>>) target_semaphore(%arg12 : memref<!tpu.dma_semaphore, #tpu.memory_space<semaphore_mem>>)
    } else {
    }
    %dma_wait3A = arith.constant 0 : i32
    %dma_wait3A_71 = tpu.memref_slice %arg5[%dma_wait3A] : memref<16768xf32, #tpu.memory_space<vmem>> -> memref<6288xf32, #tpu.memory_space<vmem>>
    %dma_wait3A_72 = tpu.memref_slice %arg2[%add3A_6] : memref<268435xf32, #tpu.memory_space<hbm>> -> memref<6288xf32, #tpu.memory_space<hbm>>
    %dma_wait3A_73 = arith.constant 0 : i32
    %dma_wait3A_74 = tpu.memref_slice %arg5[%dma_wait3A_73] : memref<16768xf32, #tpu.memory_space<vmem>> -> memref<6288xf32, #tpu.memory_space<vmem>>
    %dma_wait3A_75 = tpu.memref_slice %arg2[%add3A_6] : memref<268435xf32, #tpu.memory_space<hbm>> -> memref<6288xf32, #tpu.memory_space<hbm>>
    tpu.wait_dma2 semaphore(%arg10 : memref<!tpu.dma_semaphore, #tpu.memory_space<semaphore_mem>>) src(%dma_wait3A_75 : memref<6288xf32, #tpu.memory_space<hbm>>) dst(%dma_wait3A_74 : memref<6288xf32, #tpu.memory_space<vmem>>)
    %dma_wait3A_76 = arith.constant 0 : i32
    %dma_wait3A_77 = tpu.memref_slice %arg6[%dma_wait3A_76] : memref<16768xf32, #tpu.memory_space<vmem>> -> memref<6288xf32, #tpu.memory_space<vmem>>
    %dma_wait3A_78 = tpu.memref_slice %arg3[%add3A_13] : memref<268435xf32, #tpu.memory_space<hbm>> -> memref<6288xf32, #tpu.memory_space<hbm>>
    %dma_wait3A_79 = arith.constant 0 : i32
    %dma_wait3A_80 = tpu.memref_slice %arg6[%dma_wait3A_79] : memref<16768xf32, #tpu.memory_space<vmem>> -> memref<6288xf32, #tpu.memory_space<vmem>>
    %dma_wait3A_81 = tpu.memref_slice %arg3[%add3A_13] : memref<268435xf32, #tpu.memory_space<hbm>> -> memref<6288xf32, #tpu.memory_space<hbm>>
    tpu.wait_dma2 semaphore(%arg10 : memref<!tpu.dma_semaphore, #tpu.memory_space<semaphore_mem>>) src(%dma_wait3A_81 : memref<6288xf32, #tpu.memory_space<hbm>>) dst(%dma_wait3A_80 : memref<6288xf32, #tpu.memory_space<vmem>>)
    %parallel_loop3A = arith.constant 0 : i32
    %parallel_loop3A_82 = arith.constant 6288 : i32
    %parallel_loop3A_83 = arith.constant 16 : i32
    scf.for %parallel_loop3A_188 = %parallel_loop3A to %parallel_loop3A_82 step %parallel_loop3A_83  : i32 {
      %parallel_loop3A_189 = arith.index_cast %parallel_loop3A_188 : i32 to index
      %parallel_loop3A_190 = tpu.vector_load %arg5[%parallel_loop3A_189] {strides = array<i32>} : memref<16768xf32, #tpu.memory_space<vmem>>, vector<16xf32>,
      %parallel_loop3A_191 = vector.shape_cast %parallel_loop3A_190 : vector<16xf32> to vector<16xf32>
      %parallel_loop3A_192 = arith.index_cast %parallel_loop3A_188 : i32 to index
      %parallel_loop3A_193 = tpu.vector_load %arg6[%parallel_loop3A_192] {strides = array<i32>} : memref<16768xf32, #tpu.memory_space<vmem>>, vector<16xf32>,
      %parallel_loop3A_194 = vector.shape_cast %parallel_loop3A_193 : vector<16xf32> to vector<16xf32>
      %parallel_loop3A_195 = arith.constant 0.899999976 : f32
      %parallel_loop3A_196 = vector.broadcast %parallel_loop3A_195 : f32 to vector<16xf32>
      %parallel_loop3A_197 = arith.addf %parallel_loop3A_194, %parallel_loop3A_196 : vector<16xf32>
      %parallel_loop3A_198 = arith.constant 1.000000e+00 : f32
      %parallel_loop3A_199 = vector.broadcast %parallel_loop3A_198 : f32 to vector<16xf32>
      %parallel_loop3A_200 = arith.cmpf oge, %parallel_loop3A_197, %parallel_loop3A_199 : vector<16xf32>
      %parallel_loop3A_201 = arith.constant 1.11111116 : f32
      %parallel_loop3A_202 = vector.broadcast %parallel_loop3A_201 : f32 to vector<16xf32>
      %parallel_loop3A_203 = arith.mulf %parallel_loop3A_191, %parallel_loop3A_202 : vector<16xf32>
      %parallel_loop3A_204 = arith.constant 0.000000e+00 : f32
      %parallel_loop3A_205 = vector.broadcast %parallel_loop3A_204 : f32 to vector<16xf32>
      %parallel_loop3A_206 = arith.select %parallel_loop3A_200, %parallel_loop3A_203, %parallel_loop3A_205 : vector<16xi1>, vector<16xf32>
      %parallel_loop3A_207 = arith.index_cast %parallel_loop3A_188 : i32 to index
      %parallel_loop3A_208 = tpu.vector_load %arg7[%parallel_loop3A_207] {strides = array<i32>} : memref<16768xf32, #tpu.memory_space<vmem>>, vector<16xf32>,
      %parallel_loop3A_209 = vector.shape_cast %parallel_loop3A_208 : vector<16xf32> to vector<16xf32>
      %parallel_loop3A_210 = vector.shape_cast %parallel_loop3A_206 : vector<16xf32> to vector<16xf32>
      tpu.vector_store %arg7[%parallel_loop3A_207], %parallel_loop3A_210 {strides = array<i32>} : memref<16768xf32, #tpu.memory_space<vmem>>, vector<16xf32>,
    } {sc.loop_unroll_factor = 8 : i64, sc.parallel_access}
    %add3A_84 = arith.constant 0 : i32
    %add3A_85 = arith.addi %mul3A_2, %add3A_84 : i32
    %dma_start3A_86 = arith.constant 0 : i32
    %dma_start3A_87 = tpu.memref_slice %arg7[%dma_start3A_86] : memref<16768xf32, #tpu.memory_space<vmem>> -> memref<6288xf32, #tpu.memory_space<vmem>>
    %dma_start3A_88 = tpu.memref_slice %arg4[%add3A_85] : memref<268435xf32, #tpu.memory_space<hbm>> -> memref<6288xf32, #tpu.memory_space<hbm>>
    %dma_start3A_89 = tpu.memref_slice %arg4[%add3A_85] : memref<268435xf32, #tpu.memory_space<hbm>> -> memref<6288xf32, #tpu.memory_space<hbm>>
    %dma_start3A_90 = arith.constant 0 : i32
    %dma_start3A_91 = tpu.memref_slice %arg7[%dma_start3A_90] : memref<16768xf32, #tpu.memory_space<vmem>> -> memref<6288xf32, #tpu.memory_space<vmem>>
    tpu.enqueue_dma source(%dma_start3A_91 : memref<6288xf32, #tpu.memory_space<vmem>>) target(%dma_start3A_89 : memref<6288xf32, #tpu.memory_space<hbm>>) target_semaphore(%arg11 : memref<!tpu.dma_semaphore, #tpu.memory_space<semaphore_mem>>)
    %dma_wait3A_92 = arith.constant 6288 : i32
    %dma_wait3A_93 = tpu.memref_slice %arg5[%dma_wait3A_92] : memref<16768xf32, #tpu.memory_space<vmem>> -> memref<6288xf32, #tpu.memory_space<vmem>>
    %dma_wait3A_94 = tpu.memref_slice %arg2[%add3A_21] : memref<268435xf32, #tpu.memory_space<hbm>> -> memref<6288xf32, #tpu.memory_space<hbm>>
    %dma_wait3A_95 = arith.constant 6288 : i32
    %dma_wait3A_96 = tpu.memref_slice %arg5[%dma_wait3A_95] : memref<16768xf32, #tpu.memory_space<vmem>> -> memref<6288xf32, #tpu.memory_space<vmem>>
    %dma_wait3A_97 = tpu.memref_slice %arg2[%add3A_21] : memref<268435xf32, #tpu.memory_space<hbm>> -> memref<6288xf32, #tpu.memory_space<hbm>>
    tpu.wait_dma2 semaphore(%arg10 : memref<!tpu.dma_semaphore, #tpu.memory_space<semaphore_mem>>) src(%dma_wait3A_97 : memref<6288xf32, #tpu.memory_space<hbm>>) dst(%dma_wait3A_96 : memref<6288xf32, #tpu.memory_space<vmem>>)
    %dma_wait3A_98 = arith.constant 6288 : i32
    %dma_wait3A_99 = tpu.memref_slice %arg6[%dma_wait3A_98] : memref<16768xf32, #tpu.memory_space<vmem>> -> memref<6288xf32, #tpu.memory_space<vmem>>
    %dma_wait3A_100 = tpu.memref_slice %arg3[%add3A_29] : memref<268435xf32, #tpu.memory_space<hbm>> -> memref<6288xf32, #tpu.memory_space<hbm>>
    %dma_wait3A_101 = arith.constant 6288 : i32
    %dma_wait3A_102 = tpu.memref_slice %arg6[%dma_wait3A_101] : memref<16768xf32, #tpu.memory_space<vmem>> -> memref<6288xf32, #tpu.memory_space<vmem>>
    %dma_wait3A_103 = tpu.memref_slice %arg3[%add3A_29] : memref<268435xf32, #tpu.memory_space<hbm>> -> memref<6288xf32, #tpu.memory_space<hbm>>
    tpu.wait_dma2 semaphore(%arg10 : memref<!tpu.dma_semaphore, #tpu.memory_space<semaphore_mem>>) src(%dma_wait3A_103 : memref<6288xf32, #tpu.memory_space<hbm>>) dst(%dma_wait3A_102 : memref<6288xf32, #tpu.memory_space<vmem>>)
    %parallel_loop3A_104 = arith.constant 6288 : i32
    %parallel_loop3A_105 = arith.constant 12576 : i32
    %parallel_loop3A_106 = arith.constant 16 : i32
    scf.for %parallel_loop3A_188 = %parallel_loop3A_104 to %parallel_loop3A_105 step %parallel_loop3A_106  : i32 {
      %parallel_loop3A_189 = arith.index_cast %parallel_loop3A_188 : i32 to index
      %parallel_loop3A_190 = tpu.vector_load %arg5[%parallel_loop3A_189] {strides = array<i32>} : memref<16768xf32, #tpu.memory_space<vmem>>, vector<16xf32>,
      %parallel_loop3A_191 = vector.shape_cast %parallel_loop3A_190 : vector<16xf32> to vector<16xf32>
      %parallel_loop3A_192 = arith.index_cast %parallel_loop3A_188 : i32 to index
      %parallel_loop3A_193 = tpu.vector_load %arg6[%parallel_loop3A_192] {strides = array<i32>} : memref<16768xf32, #tpu.memory_space<vmem>>, vector<16xf32>,
      %parallel_loop3A_194 = vector.shape_cast %parallel_loop3A_193 : vector<16xf32> to vector<16xf32>
      %parallel_loop3A_195 = arith.constant 0.899999976 : f32
      %parallel_loop3A_196 = vector.broadcast %parallel_loop3A_195 : f32 to vector<16xf32>
      %parallel_loop3A_197 = arith.addf %parallel_loop3A_194, %parallel_loop3A_196 : vector<16xf32>
      %parallel_loop3A_198 = arith.constant 1.000000e+00 : f32
      %parallel_loop3A_199 = vector.broadcast %parallel_loop3A_198 : f32 to vector<16xf32>
      %parallel_loop3A_200 = arith.cmpf oge, %parallel_loop3A_197, %parallel_loop3A_199 : vector<16xf32>
      %parallel_loop3A_201 = arith.constant 1.11111116 : f32
      %parallel_loop3A_202 = vector.broadcast %parallel_loop3A_201 : f32 to vector<16xf32>
      %parallel_loop3A_203 = arith.mulf %parallel_loop3A_191, %parallel_loop3A_202 : vector<16xf32>
      %parallel_loop3A_204 = arith.constant 0.000000e+00 : f32
      %parallel_loop3A_205 = vector.broadcast %parallel_loop3A_204 : f32 to vector<16xf32>
      %parallel_loop3A_206 = arith.select %parallel_loop3A_200, %parallel_loop3A_203, %parallel_loop3A_205 : vector<16xi1>, vector<16xf32>
      %parallel_loop3A_207 = arith.index_cast %parallel_loop3A_188 : i32 to index
      %parallel_loop3A_208 = tpu.vector_load %arg7[%parallel_loop3A_207] {strides = array<i32>} : memref<16768xf32, #tpu.memory_space<vmem>>, vector<16xf32>,
      %parallel_loop3A_209 = vector.shape_cast %parallel_loop3A_208 : vector<16xf32> to vector<16xf32>
      %parallel_loop3A_210 = vector.shape_cast %parallel_loop3A_206 : vector<16xf32> to vector<16xf32>
      tpu.vector_store %arg7[%parallel_loop3A_207], %parallel_loop3A_210 {strides = array<i32>} : memref<16768xf32, #tpu.memory_space<vmem>>, vector<16xf32>,
    } {sc.loop_unroll_factor = 8 : i64, sc.parallel_access}
    %add3A_107 = arith.constant 6288 : i32
    %add3A_108 = arith.addi %mul3A_2, %add3A_107 : i32
    %dma_start3A_109 = arith.constant 6288 : i32
    %dma_start3A_110 = tpu.memref_slice %arg7[%dma_start3A_109] : memref<16768xf32, #tpu.memory_space<vmem>> -> memref<6288xf32, #tpu.memory_space<vmem>>
    %dma_start3A_111 = tpu.memref_slice %arg4[%add3A_108] : memref<268435xf32, #tpu.memory_space<hbm>> -> memref<6288xf32, #tpu.memory_space<hbm>>
    %dma_start3A_112 = tpu.memref_slice %arg4[%add3A_108] : memref<268435xf32, #tpu.memory_space<hbm>> -> memref<6288xf32, #tpu.memory_space<hbm>>
    %dma_start3A_113 = arith.constant 6288 : i32
    %dma_start3A_114 = tpu.memref_slice %arg7[%dma_start3A_113] : memref<16768xf32, #tpu.memory_space<vmem>> -> memref<6288xf32, #tpu.memory_space<vmem>>
    tpu.enqueue_dma source(%dma_start3A_114 : memref<6288xf32, #tpu.memory_space<vmem>>) target(%dma_start3A_112 : memref<6288xf32, #tpu.memory_space<hbm>>) target_semaphore(%arg11 : memref<!tpu.dma_semaphore, #tpu.memory_space<semaphore_mem>>)
    %dma_wait3A_115 = arith.constant 12576 : i32
    %dma_wait3A_116 = tpu.memref_slice %arg5[%dma_wait3A_115] : memref<16768xf32, #tpu.memory_space<vmem>> -> memref<2096xf32, #tpu.memory_space<vmem>>
    %dma_wait3A_117 = tpu.memref_slice %arg2[%add3A_37] : memref<268435xf32, #tpu.memory_space<hbm>> -> memref<2096xf32, #tpu.memory_space<hbm>>
    %dma_wait3A_118 = arith.constant 12576 : i32
    %dma_wait3A_119 = tpu.memref_slice %arg5[%dma_wait3A_118] : memref<16768xf32, #tpu.memory_space<vmem>> -> memref<2096xf32, #tpu.memory_space<vmem>>
    %dma_wait3A_120 = tpu.memref_slice %arg2[%add3A_37] : memref<268435xf32, #tpu.memory_space<hbm>> -> memref<2096xf32, #tpu.memory_space<hbm>>
    tpu.wait_dma2 semaphore(%arg10 : memref<!tpu.dma_semaphore, #tpu.memory_space<semaphore_mem>>) src(%dma_wait3A_120 : memref<2096xf32, #tpu.memory_space<hbm>>) dst(%dma_wait3A_119 : memref<2096xf32, #tpu.memory_space<vmem>>)
    %dma_wait3A_121 = arith.constant 12576 : i32
    %dma_wait3A_122 = tpu.memref_slice %arg6[%dma_wait3A_121] : memref<16768xf32, #tpu.memory_space<vmem>> -> memref<2096xf32, #tpu.memory_space<vmem>>
    %dma_wait3A_123 = tpu.memref_slice %arg3[%add3A_45] : memref<268435xf32, #tpu.memory_space<hbm>> -> memref<2096xf32, #tpu.memory_space<hbm>>
    %dma_wait3A_124 = arith.constant 12576 : i32
    %dma_wait3A_125 = tpu.memref_slice %arg6[%dma_wait3A_124] : memref<16768xf32, #tpu.memory_space<vmem>> -> memref<2096xf32, #tpu.memory_space<vmem>>
    %dma_wait3A_126 = tpu.memref_slice %arg3[%add3A_45] : memref<268435xf32, #tpu.memory_space<hbm>> -> memref<2096xf32, #tpu.memory_space<hbm>>
    tpu.wait_dma2 semaphore(%arg10 : memref<!tpu.dma_semaphore, #tpu.memory_space<semaphore_mem>>) src(%dma_wait3A_126 : memref<2096xf32, #tpu.memory_space<hbm>>) dst(%dma_wait3A_125 : memref<2096xf32, #tpu.memory_space<vmem>>)
    %parallel_loop3A_127 = arith.constant 12576 : i32
    %parallel_loop3A_128 = arith.constant 14672 : i32
    %parallel_loop3A_129 = arith.constant 16 : i32
    scf.for %parallel_loop3A_188 = %parallel_loop3A_127 to %parallel_loop3A_128 step %parallel_loop3A_129  : i32 {
      %parallel_loop3A_189 = arith.index_cast %parallel_loop3A_188 : i32 to index
      %parallel_loop3A_190 = tpu.vector_load %arg5[%parallel_loop3A_189] {strides = array<i32>} : memref<16768xf32, #tpu.memory_space<vmem>>, vector<16xf32>,
      %parallel_loop3A_191 = vector.shape_cast %parallel_loop3A_190 : vector<16xf32> to vector<16xf32>
      %parallel_loop3A_192 = arith.index_cast %parallel_loop3A_188 : i32 to index
      %parallel_loop3A_193 = tpu.vector_load %arg6[%parallel_loop3A_192] {strides = array<i32>} : memref<16768xf32, #tpu.memory_space<vmem>>, vector<16xf32>,
      %parallel_loop3A_194 = vector.shape_cast %parallel_loop3A_193 : vector<16xf32> to vector<16xf32>
      %parallel_loop3A_195 = arith.constant 0.899999976 : f32
      %parallel_loop3A_196 = vector.broadcast %parallel_loop3A_195 : f32 to vector<16xf32>
      %parallel_loop3A_197 = arith.addf %parallel_loop3A_194, %parallel_loop3A_196 : vector<16xf32>
      %parallel_loop3A_198 = arith.constant 1.000000e+00 : f32
      %parallel_loop3A_199 = vector.broadcast %parallel_loop3A_198 : f32 to vector<16xf32>
      %parallel_loop3A_200 = arith.cmpf oge, %parallel_loop3A_197, %parallel_loop3A_199 : vector<16xf32>
      %parallel_loop3A_201 = arith.constant 1.11111116 : f32
      %parallel_loop3A_202 = vector.broadcast %parallel_loop3A_201 : f32 to vector<16xf32>
      %parallel_loop3A_203 = arith.mulf %parallel_loop3A_191, %parallel_loop3A_202 : vector<16xf32>
      %parallel_loop3A_204 = arith.constant 0.000000e+00 : f32
      %parallel_loop3A_205 = vector.broadcast %parallel_loop3A_204 : f32 to vector<16xf32>
      %parallel_loop3A_206 = arith.select %parallel_loop3A_200, %parallel_loop3A_203, %parallel_loop3A_205 : vector<16xi1>, vector<16xf32>
      %parallel_loop3A_207 = arith.index_cast %parallel_loop3A_188 : i32 to index
      %parallel_loop3A_208 = tpu.vector_load %arg7[%parallel_loop3A_207] {strides = array<i32>} : memref<16768xf32, #tpu.memory_space<vmem>>, vector<16xf32>,
      %parallel_loop3A_209 = vector.shape_cast %parallel_loop3A_208 : vector<16xf32> to vector<16xf32>
      %parallel_loop3A_210 = vector.shape_cast %parallel_loop3A_206 : vector<16xf32> to vector<16xf32>
      tpu.vector_store %arg7[%parallel_loop3A_207], %parallel_loop3A_210 {strides = array<i32>} : memref<16768xf32, #tpu.memory_space<vmem>>, vector<16xf32>,
    } {sc.loop_unroll_factor = 8 : i64, sc.parallel_access}
    %add3A_130 = arith.constant 12576 : i32
    %add3A_131 = arith.addi %mul3A_2, %add3A_130 : i32
    %dma_start3A_132 = arith.constant 12576 : i32
    %dma_start3A_133 = tpu.memref_slice %arg7[%dma_start3A_132] : memref<16768xf32, #tpu.memory_space<vmem>> -> memref<2096xf32, #tpu.memory_space<vmem>>
    %dma_start3A_134 = tpu.memref_slice %arg4[%add3A_131] : memref<268435xf32, #tpu.memory_space<hbm>> -> memref<2096xf32, #tpu.memory_space<hbm>>
    %dma_start3A_135 = tpu.memref_slice %arg4[%add3A_131] : memref<268435xf32, #tpu.memory_space<hbm>> -> memref<2096xf32, #tpu.memory_space<hbm>>
    %dma_start3A_136 = arith.constant 12576 : i32
    %dma_start3A_137 = tpu.memref_slice %arg7[%dma_start3A_136] : memref<16768xf32, #tpu.memory_space<vmem>> -> memref<2096xf32, #tpu.memory_space<vmem>>
    tpu.enqueue_dma source(%dma_start3A_137 : memref<2096xf32, #tpu.memory_space<vmem>>) target(%dma_start3A_135 : memref<2096xf32, #tpu.memory_space<hbm>>) target_semaphore(%arg11 : memref<!tpu.dma_semaphore, #tpu.memory_space<semaphore_mem>>)
    %dma_wait3A_138 = arith.constant 14672 : i32
    %dma_wait3A_139 = tpu.memref_slice %arg5[%dma_wait3A_138] : memref<16768xf32, #tpu.memory_space<vmem>> -> memref<2096xf32, #tpu.memory_space<vmem>>
    %dma_wait3A_140 = tpu.memref_slice %arg2[%add3A_53] : memref<268435xf32, #tpu.memory_space<hbm>> -> memref<2096xf32, #tpu.memory_space<hbm>>
    %dma_wait3A_141 = arith.constant 14672 : i32
    %dma_wait3A_142 = tpu.memref_slice %arg5[%dma_wait3A_141] : memref<16768xf32, #tpu.memory_space<vmem>> -> memref<2096xf32, #tpu.memory_space<vmem>>
    %dma_wait3A_143 = tpu.memref_slice %arg2[%add3A_53] : memref<268435xf32, #tpu.memory_space<hbm>> -> memref<2096xf32, #tpu.memory_space<hbm>>
    tpu.wait_dma2 semaphore(%arg10 : memref<!tpu.dma_semaphore, #tpu.memory_space<semaphore_mem>>) src(%dma_wait3A_143 : memref<2096xf32, #tpu.memory_space<hbm>>) dst(%dma_wait3A_142 : memref<2096xf32, #tpu.memory_space<vmem>>)
    %dma_wait3A_144 = arith.constant 14672 : i32
    %dma_wait3A_145 = tpu.memref_slice %arg6[%dma_wait3A_144] : memref<16768xf32, #tpu.memory_space<vmem>> -> memref<2096xf32, #tpu.memory_space<vmem>>
    %dma_wait3A_146 = tpu.memref_slice %arg3[%add3A_61] : memref<268435xf32, #tpu.memory_space<hbm>> -> memref<2096xf32, #tpu.memory_space<hbm>>
    %dma_wait3A_147 = arith.constant 14672 : i32
    %dma_wait3A_148 = tpu.memref_slice %arg6[%dma_wait3A_147] : memref<16768xf32, #tpu.memory_space<vmem>> -> memref<2096xf32, #tpu.memory_space<vmem>>
    %dma_wait3A_149 = tpu.memref_slice %arg3[%add3A_61] : memref<268435xf32, #tpu.memory_space<hbm>> -> memref<2096xf32, #tpu.memory_space<hbm>>
    tpu.wait_dma2 semaphore(%arg10 : memref<!tpu.dma_semaphore, #tpu.memory_space<semaphore_mem>>) src(%dma_wait3A_149 : memref<2096xf32, #tpu.memory_space<hbm>>) dst(%dma_wait3A_148 : memref<2096xf32, #tpu.memory_space<vmem>>)
    %parallel_loop3A_150 = arith.constant 14672 : i32
    %parallel_loop3A_151 = arith.constant 16768 : i32
    %parallel_loop3A_152 = arith.constant 16 : i32
    scf.for %parallel_loop3A_188 = %parallel_loop3A_150 to %parallel_loop3A_151 step %parallel_loop3A_152  : i32 {
      %parallel_loop3A_189 = arith.index_cast %parallel_loop3A_188 : i32 to index
      %parallel_loop3A_190 = tpu.vector_load %arg5[%parallel_loop3A_189] {strides = array<i32>} : memref<16768xf32, #tpu.memory_space<vmem>>, vector<16xf32>,
      %parallel_loop3A_191 = vector.shape_cast %parallel_loop3A_190 : vector<16xf32> to vector<16xf32>
      %parallel_loop3A_192 = arith.index_cast %parallel_loop3A_188 : i32 to index
      %parallel_loop3A_193 = tpu.vector_load %arg6[%parallel_loop3A_192] {strides = array<i32>} : memref<16768xf32, #tpu.memory_space<vmem>>, vector<16xf32>,
      %parallel_loop3A_194 = vector.shape_cast %parallel_loop3A_193 : vector<16xf32> to vector<16xf32>
      %parallel_loop3A_195 = arith.constant 0.899999976 : f32
      %parallel_loop3A_196 = vector.broadcast %parallel_loop3A_195 : f32 to vector<16xf32>
      %parallel_loop3A_197 = arith.addf %parallel_loop3A_194, %parallel_loop3A_196 : vector<16xf32>
      %parallel_loop3A_198 = arith.constant 1.000000e+00 : f32
      %parallel_loop3A_199 = vector.broadcast %parallel_loop3A_198 : f32 to vector<16xf32>
      %parallel_loop3A_200 = arith.cmpf oge, %parallel_loop3A_197, %parallel_loop3A_199 : vector<16xf32>
      %parallel_loop3A_201 = arith.constant 1.11111116 : f32
      %parallel_loop3A_202 = vector.broadcast %parallel_loop3A_201 : f32 to vector<16xf32>
      %parallel_loop3A_203 = arith.mulf %parallel_loop3A_191, %parallel_loop3A_202 : vector<16xf32>
      %parallel_loop3A_204 = arith.constant 0.000000e+00 : f32
      %parallel_loop3A_205 = vector.broadcast %parallel_loop3A_204 : f32 to vector<16xf32>
      %parallel_loop3A_206 = arith.select %parallel_loop3A_200, %parallel_loop3A_203, %parallel_loop3A_205 : vector<16xi1>, vector<16xf32>
      %parallel_loop3A_207 = arith.index_cast %parallel_loop3A_188 : i32 to index
      %parallel_loop3A_208 = tpu.vector_load %arg7[%parallel_loop3A_207] {strides = array<i32>} : memref<16768xf32, #tpu.memory_space<vmem>>, vector<16xf32>,
      %parallel_loop3A_209 = vector.shape_cast %parallel_loop3A_208 : vector<16xf32> to vector<16xf32>
      %parallel_loop3A_210 = vector.shape_cast %parallel_loop3A_206 : vector<16xf32> to vector<16xf32>
      tpu.vector_store %arg7[%parallel_loop3A_207], %parallel_loop3A_210 {strides = array<i32>} : memref<16768xf32, #tpu.memory_space<vmem>>, vector<16xf32>,
    } {sc.loop_unroll_factor = 8 : i64, sc.parallel_access}
    %add3A_153 = arith.constant 14672 : i32
    %add3A_154 = arith.addi %mul3A_2, %add3A_153 : i32
    %dma_start3A_155 = arith.constant 14672 : i32
    %dma_start3A_156 = tpu.memref_slice %arg7[%dma_start3A_155] : memref<16768xf32, #tpu.memory_space<vmem>> -> memref<2096xf32, #tpu.memory_space<vmem>>
    %dma_start3A_157 = tpu.memref_slice %arg4[%add3A_154] : memref<268435xf32, #tpu.memory_space<hbm>> -> memref<2096xf32, #tpu.memory_space<hbm>>
    %dma_start3A_158 = tpu.memref_slice %arg4[%add3A_154] : memref<268435xf32, #tpu.memory_space<hbm>> -> memref<2096xf32, #tpu.memory_space<hbm>>
    %dma_start3A_159 = arith.constant 14672 : i32
    %dma_start3A_160 = tpu.memref_slice %arg7[%dma_start3A_159] : memref<16768xf32, #tpu.memory_space<vmem>> -> memref<2096xf32, #tpu.memory_space<vmem>>
    tpu.enqueue_dma source(%dma_start3A_160 : memref<2096xf32, #tpu.memory_space<vmem>>) target(%dma_start3A_158 : memref<2096xf32, #tpu.memory_space<hbm>>) target_semaphore(%arg11 : memref<!tpu.dma_semaphore, #tpu.memory_space<semaphore_mem>>)
    %convert_element_type3A_161 = arith.extui %eq3A_3 : i1 to i32
    %cond3A_162 = arith.constant 0 : i32
    %cond3A_163 = arith.cmpi ne, %convert_element_type3A_161, %cond3A_162 : i32
    scf.if %cond3A_163 {
      %dma_wait3A_188 = arith.constant 0 : i32
      %dma_wait3A_189 = tpu.memref_slice %arg8[%dma_wait3A_188] : memref<160xf32, #tpu.memory_space<vmem>> -> memref<147xf32, #tpu.memory_space<vmem>>
      %dma_wait3A_190 = arith.constant 268288 : i32
      %dma_wait3A_191 = tpu.memref_slice %arg4[%dma_wait3A_190] : memref<268435xf32, #tpu.memory_space<hbm>> -> memref<147xf32, #tpu.memory_space<hbm>>
      %dma_wait3A_192 = arith.constant 268288 : i32
      %dma_wait3A_193 = tpu.memref_slice %arg4[%dma_wait3A_192] : memref<268435xf32, #tpu.memory_space<hbm>> -> memref<147xf32, #tpu.memory_space<hbm>>
      %dma_wait3A_194 = arith.constant 0 : i32
      %dma_wait3A_195 = tpu.memref_slice %arg8[%dma_wait3A_194] : memref<160xf32, #tpu.memory_space<vmem>> -> memref<147xf32, #tpu.memory_space<vmem>>
      tpu.wait_dma2 semaphore(%arg12 : memref<!tpu.dma_semaphore, #tpu.memory_space<semaphore_mem>>) src(%dma_wait3A_195 : memref<147xf32, #tpu.memory_space<vmem>>) dst(%dma_wait3A_193 : memref<147xf32, #tpu.memory_space<hbm>>)
    } else {
    }
    %dma_wait3A_164 = arith.constant 0 : i32
    %dma_wait3A_165 = tpu.memref_slice %arg7[%dma_wait3A_164] : memref<16768xf32, #tpu.memory_space<vmem>> -> memref<6288xf32, #tpu.memory_space<vmem>>
    %dma_wait3A_166 = tpu.memref_slice %arg4[%add3A_85] : memref<268435xf32, #tpu.memory_space<hbm>> -> memref<6288xf32, #tpu.memory_space<hbm>>
    %dma_wait3A_167 = tpu.memref_slice %arg4[%add3A_85] : memref<268435xf32, #tpu.memory_space<hbm>> -> memref<6288xf32, #tpu.memory_space<hbm>>
    %dma_wait3A_168 = arith.constant 0 : i32
    %dma_wait3A_169 = tpu.memref_slice %arg7[%dma_wait3A_168] : memref<16768xf32, #tpu.memory_space<vmem>> -> memref<6288xf32, #tpu.memory_space<vmem>>
    tpu.wait_dma2 semaphore(%arg11 : memref<!tpu.dma_semaphore, #tpu.memory_space<semaphore_mem>>) src(%dma_wait3A_169 : memref<6288xf32, #tpu.memory_space<vmem>>) dst(%dma_wait3A_167 : memref<6288xf32, #tpu.memory_space<hbm>>)
    %dma_wait3A_170 = arith.constant 6288 : i32
    %dma_wait3A_171 = tpu.memref_slice %arg7[%dma_wait3A_170] : memref<16768xf32, #tpu.memory_space<vmem>> -> memref<6288xf32, #tpu.memory_space<vmem>>
    %dma_wait3A_172 = tpu.memref_slice %arg4[%add3A_108] : memref<268435xf32, #tpu.memory_space<hbm>> -> memref<6288xf32, #tpu.memory_space<hbm>>
    %dma_wait3A_173 = tpu.memref_slice %arg4[%add3A_108] : memref<268435xf32, #tpu.memory_space<hbm>> -> memref<6288xf32, #tpu.memory_space<hbm>>
    %dma_wait3A_174 = arith.constant 6288 : i32
    %dma_wait3A_175 = tpu.memref_slice %arg7[%dma_wait3A_174] : memref<16768xf32, #tpu.memory_space<vmem>> -> memref<6288xf32, #tpu.memory_space<vmem>>
    tpu.wait_dma2 semaphore(%arg11 : memref<!tpu.dma_semaphore, #tpu.memory_space<semaphore_mem>>) src(%dma_wait3A_175 : memref<6288xf32, #tpu.memory_space<vmem>>) dst(%dma_wait3A_173 : memref<6288xf32, #tpu.memory_space<hbm>>)
    %dma_wait3A_176 = arith.constant 12576 : i32
    %dma_wait3A_177 = tpu.memref_slice %arg7[%dma_wait3A_176] : memref<16768xf32, #tpu.memory_space<vmem>> -> memref<2096xf32, #tpu.memory_space<vmem>>
    %dma_wait3A_178 = tpu.memref_slice %arg4[%add3A_131] : memref<268435xf32, #tpu.memory_space<hbm>> -> memref<2096xf32, #tpu.memory_space<hbm>>
    %dma_wait3A_179 = tpu.memref_slice %arg4[%add3A_131] : memref<268435xf32, #tpu.memory_space<hbm>> -> memref<2096xf32, #tpu.memory_space<hbm>>
    %dma_wait3A_180 = arith.constant 12576 : i32
    %dma_wait3A_181 = tpu.memref_slice %arg7[%dma_wait3A_180] : memref<16768xf32, #tpu.memory_space<vmem>> -> memref<2096xf32, #tpu.memory_space<vmem>>
    tpu.wait_dma2 semaphore(%arg11 : memref<!tpu.dma_semaphore, #tpu.memory_space<semaphore_mem>>) src(%dma_wait3A_181 : memref<2096xf32, #tpu.memory_space<vmem>>) dst(%dma_wait3A_179 : memref<2096xf32, #tpu.memory_space<hbm>>)
    %dma_wait3A_182 = arith.constant 14672 : i32
    %dma_wait3A_183 = tpu.memref_slice %arg7[%dma_wait3A_182] : memref<16768xf32, #tpu.memory_space<vmem>> -> memref<2096xf32, #tpu.memory_space<vmem>>
    %dma_wait3A_184 = tpu.memref_slice %arg4[%add3A_154] : memref<268435xf32, #tpu.memory_space<hbm>> -> memref<2096xf32, #tpu.memory_space<hbm>>
    %dma_wait3A_185 = tpu.memref_slice %arg4[%add3A_154] : memref<268435xf32, #tpu.memory_space<hbm>> -> memref<2096xf32, #tpu.memory_space<hbm>>
    %dma_wait3A_186 = arith.constant 14672 : i32
    %dma_wait3A_187 = tpu.memref_slice %arg7[%dma_wait3A_186] : memref<16768xf32, #tpu.memory_space<vmem>> -> memref<2096xf32, #tpu.memory_space<vmem>>
    tpu.wait_dma2 semaphore(%arg11 : memref<!tpu.dma_semaphore, #tpu.memory_space<semaphore_mem>>) src(%dma_wait3A_187 : memref<2096xf32, #tpu.memory_space<vmem>>) dst(%dma_wait3A_185 : memref<2096xf32, #tpu.memory_space<hbm>>)
    return
  }
}

</mosaic_0001>

<sc_bundles>
// kernel: kernel.3.cloned.1.call-start
scs
__scs_entry_jumppad:
0x0: {  	(pc) =	sbr.rel $0x88, $3  }
0x1: {  	(tag) =	ssettag $0x0;
	lr =	simm.s32 $0x1  }
0x2: {  	[smem:$0x3F9E] =	sst lr;
	_ =	strace $0xD0000000  }
0x3: {  	_ = 	snop  }
0x4: {  	_ = 	snop  }
0x5: {  	_ = 	snop  }
0x6: {  	_ = 	snop  }
0x7: {  	_ = 	snop  }
__scs_overlays_trampoline_lowered:
0x8: {  	[smem:$0x3FAD] =	sst s0  }
0x9: {  	[smem:$0x3FAE] =	sst s1  }
0xa: {  	[smem:$0x3FAF] =	sst s2  }
0xb: {  	[smem:$0x3FB0] =	sst s3  }
0xc: {  	[smem:$0x3FB1] =	sst s4  }
0xd: {  	[smem:$0x3FB2] =	sst s5  }
0xe: {  	[smem:$0x3FB3] =	sst s6  }
0xf: {  	[smem:$0x3FB4] =	sst s7  }
0x10: {  	[smem:$0x3FB5] =	sst s8  }
0x11: {  	[smem:$0x3FB6] =	sst s9;
	s0 =	simm.s32 @!p0 $0x0  }
0x12: {  	s1 =	sld [smem:$0x3F9C];
	s0 =	simm.s32 @p0 $0x1  }
0x13: {  	[smem:$0x3FB7] =	sst s0;
	s0 =	simm.s32 @!p1 $0x0  }
0x14: {  	s2 =	sld [smem:$0x3F9B];
	s0 =	simm.s32 @p1 $0x1  }
0x15: {  	[smem:$0x3FB8] =	sst s0;
	s0 =	simm.s32 @!p2 $0x0  }
0x16: {  	s3 =	sld [smem:$0x3FDB];
	s0 =	simm.s32 @p2 $0x1  }
0x17: {  	s4 =	simm.s32 $0x1BF5;
	[smem:$0x3FBA] =	sst s0  }
0x18: {  	s0 =	sld [smem:$0x3F9D];
	_ =	swait.ge [sflag:s4], $0x0  }
0x19: {  	s7 =	sld [smem:$0x3F9E]  }
0x1a: {  	s8 =	sadd.s32 $0xFFFFE003, lr  }
0x1b: {  	s9 =	sadd.s32 $0xFFFFFEF7, lr;
	s5 =	simm.s32 $0xFFFFFFFF;
	p2 =	slt.u32 s8, $0xFFFFF086  }
0x1c: {  	p1 =	slt.u32 s9, $0xF7A;
	s5 =	simm.s32 @!p2 $0x0  }
0x1d: {  	s5 =	simm.s32 @p1 $0x1;
	p0 =	seq.s32 s7, s2  }
0x1e: {  	s7 =	smul.u32 @!p0 $0xF7A, s2;
	p2 =	seq.s32 @!p0 s5, $0x0  }
0x1f: {  	s9 =	smul.u32 $0xF7A, s1;
	s8 =	simm.s32 @!p0 $0x1BF5;
	p2 =	por !p2, p0  }
0x20: {  	[sflag:s8] =	ssyncset.s32 @!p0 $0xFFFFF086;
	s6 =	sadd.s32 @!p0 s3, s7;
	s7 =	simm.s32 @!p0 $0x108  }
0x21: {  	s3 =	sadd.s32 s3, s9;
	s6 =	sadd.s32 @!p0 $0x88, s6;
	s7 =	simm.s32 @p2 $0x1082  }
0x22: {  	[simem:s7], [sflag:s8] =	dma.local @!p0 [hbm:s6], $0xF7A  }
0x23: {  	s9 =	sor.u32 $0xD0000000, s2;
	s6 =	simm.s32 $0x108;
	_ =	swait.ge @!p0 [sflag:s8], $0x0  }
0x24: {  	s3 =	sadd.s32 $0x88, s3;
	s6 =	simm.s32 @!p1 $0x1082;
	[sflag:s4] =	ssyncset.s32 $0xFFFFF086  }
0x25: {  	[simem:s6], [sflag:s4] =	dma.local [hbm:s3], $0xF7A  }
0x26: {  	[smem:$0x3F9E] =	sst s1;
	(tag) =	ssettag s2;
	_ =	strace s9  }
0x27: {  	s1 =	sld [smem:$0x3FAE]  }
0x28: {  	s2 =	sld [smem:$0x3FAF]  }
0x29: {  	s4 =	sld [smem:$0x3FB1]  }
0x2a: {  	p0 =	seq.s32 s5, $0x0;
	s5 =	sld [smem:$0x3FB2]  }
0x2b: {  	s6 =	sld [smem:$0x3FB3]  }
0x2c: {  	s7 =	sld [smem:$0x3FB4]  }
0x2d: {  	s3 =	simm.s32 $0x108;
	s8 =	sld [smem:$0x3FB5]  }
0x2e: {  	s3 =	simm.s32 @!p0 $0x1082;
	s9 =	sld [smem:$0x3FB6]  }
0x2f: {  	lr =	sadd.s32 s0, s3;
	s0 =	sld [smem:$0x3FAD]  }
0x30: {  	s3 =	sld [smem:$0x3FB0]  }
0x31: {  	[smem:$0x3FB9] =	sst s10  }
0x32: {  	s10 =	sld [smem:$0x3FB7];
	_ =	sdelay $0x3  }
0x33: {  	p0 =	seq.s32 s10, $0x1;
	s10 =	sld [smem:$0x3FB9];
	_ =	sdelay $0x3  }
0x34: {  	[smem:$0x3FB9] =	sst s10  }
0x35: {  	s10 =	sld [smem:$0x3FB8];
	_ =	sdelay $0x3  }
0x36: {  	p1 =	seq.s32 s10, $0x1;
	s10 =	sld [smem:$0x3FB9];
	_ =	sdelay $0x3  }
0x37: {  	[smem:$0x3FB9] =	sst s10  }
0x38: {  	s10 =	sld [smem:$0x3FBA]  }
0x39: {  	_ = 	snop;
	(pc) =	sbr.ind lr, $3  }
0x3a: {  	_ = 	snop  }
0x3b: {  	_ = 	snop  }
0x3c: {  	p2 =	seq.s32 s10, $0x1;
	s10 =	sld [smem:$0x3FB9]  }
0x3d: {  	_ =	shalt  }
0x3e: {  	_ =	shalt  }
0x3f: {  	_ =	shalt  }
0x40: {  	_ =	shalt  }
0x41: {  	_ =	shalt  }
0x42: {  	_ =	shalt  }
0x43: {  	_ =	shalt  }
0x44: {  	_ =	shalt  }
0x45: {  	_ =	shalt  }
0x46: {  	_ =	shalt  }
0x47: {  	_ =	shalt  }
0x48: {  	_ =	shalt  }
0x49: {  	_ =	shalt  }
0x4a: {  	_ =	shalt  }
0x4b: {  	_ =	shalt  }
0x4c: {  	_ =	shalt  }
0x4d: {  	_ =	shalt  }
0x4e: {  	_ =	shalt  }
0x4f: {  	_ =	shalt  }
0x50: {  	_ =	shalt  }
0x51: {  	_ =	shalt  }
0x52: {  	_ =	shalt  }
0x53: {  	_ =	shalt  }
0x54: {  	_ =	shalt  }
0x55: {  	_ =	shalt  }
0x56: {  	_ =	shalt  }
0x57: {  	_ =	shalt  }
0x58: {  	_ =	shalt  }
0x59: {  	_ =	shalt  }
0x5a: {  	_ =	shalt  }
0x5b: {  	_ =	shalt  }
0x5c: {  	_ =	shalt  }
0x5d: {  	_ =	shalt  }
0x5e: {  	_ =	shalt  }
0x5f: {  	_ =	shalt  }
0x60: {  	_ =	shalt  }
0x61: {  	_ =	shalt  }
0x62: {  	_ =	shalt  }
0x63: {  	_ =	shalt  }
0x64: {  	_ =	shalt  }
0x65: {  	_ =	shalt  }
0x66: {  	_ =	shalt  }
0x67: {  	_ =	shalt  }
0x68: {  	_ =	shalt  }
0x69: {  	_ =	shalt  }
0x6a: {  	_ =	shalt  }
0x6b: {  	_ =	shalt  }
0x6c: {  	_ =	shalt  }
0x6d: {  	_ =	shalt  }
0x6e: {  	_ =	shalt  }
0x6f: {  	_ =	shalt  }
0x70: {  	_ =	shalt  }
0x71: {  	_ =	shalt  }
0x72: {  	_ =	shalt  }
0x73: {  	_ =	shalt  }
0x74: {  	_ =	shalt  }
0x75: {  	_ =	shalt  }
0x76: {  	_ =	shalt  }
0x77: {  	_ =	shalt  }
0x78: {  	_ =	shalt  }
0x79: {  	_ =	shalt  }
0x7a: {  	_ =	shalt  }
0x7b: {  	_ =	shalt  }
0x7c: {  	_ =	shalt  }
0x7d: {  	_ =	shalt  }
0x7e: {  	_ =	shalt  }
0x7f: {  	_ =	shalt  }
0x80: {  	_ =	shalt  }
0x81: {  	_ =	shalt  }
0x82: {  	_ =	shalt  }
0x83: {  	_ =	shalt  }
0x84: {  	_ =	shalt  }
0x85: {  	_ =	shalt  }
0x86: {  	_ =	shalt  }
0x87: {  	_ =	shalt  }
.Lfunc_end0:
.L_simem_size_0:
called_computation_lowered:
.L_overlay_start_0:
0x88: {  	s0 =	sld [smem:$0x3FD9]  }
0x89: {  	s1 =	sld [smem:$0x3FFE];
	_ =	sdelay $0x3  }
0x8a: {  	s0 =	sadd.s32 s1, s0  }
0x8b: {  	[smem:$0x3FC5] =	sst s0  }
0x8c: {  	_ = 	snop  }
0x8d: {  	s0 =	sld [smem:$0x3FD0];
	_ =	sdelay $0x1  }
0x8e: {  	s14 =	sld [smem:$0x3FC8]  }
0x8f: {  	s3 =	simm.s32 $0xA;
	s4 =	simm.s32 $0x10;
	s2 =	sld [smem:$0x3FC7]  }
0x90: {  	[smem:s4], [sflag:s3] =	dma.local [hbm:s0], $0x1  }
0x91: {  	_ =	swait.eq [sflag:s3], $0x1  }
0x92: {  	[sflag:s3] =	ssyncset.done $0x0  }
0x93: {  	[sflag:s3] =	ssyncadd.s32 $0xFFFFFFFF  }
0x94: {  	s15 =	sld [smem:$0x11];
	(tm) =	ssettm $0x1  }
0x95: {  	s16 =	sld [smem:$0x3FFB];
	_ =	sdelay $0x3  }
0x96: {  	_ =	strace s16  }
0x97: {  	s3 =	sld [smem:$0x3FFC];
	_ =	sdelay $0x3  }
0x98: {  	_ =	strace s3  }
0x99: {  	s3 =	sld [smem:$0x3FFD];
	_ =	sdelay $0x3  }
0x9a: {  	_ =	strace s3  }
0x9b: {  	_ =	strace $0x8FFFFFFF  }
0x9c: {  	s17 =	sld [smem:$0x3FDB];
	_ =	sdelay $0x1  }
0x9d: {  	s18 =	simm.s32 $_scs_section_size  }
0x9e: {  	s5 =	simm.s32 $_size__tile_overlayer_lowered;
	s6 =	simm.s32 $_tile_overlayer_lowered  }
0x9f: {  	s21 =	simm.s32 $0x1BFF;
	s20 =	sshll.u32 s6, $0x1;
	s3 =	sadd.s32 s18, s17  }
0xa0: {  	s7 =	simm.s32 $0x0;
	s19 =	sshll.u32 s5, $0x1;
	s5 =	sadd.s32 s20, s3  }
0xa1: {  	[timem:s7], [sflag:s21] =	dma.local [hbm:s5], s19  }
0xa2: {  	_ =	swait.ge [sflag:s21], s19  }
0xa3: {  	s4 =	ssub.s32 $0x0, s19;
	[sflag:s21] =	ssyncset.done $0x0  }
0xa4: {  	[sflag:s21] =	ssyncadd.s32 s4;
	_ =	sdelay $0x1  }
0xa5: {  	s22 =	simm.s32 $0x1B8B  }
0xa6: {  	_ =	swait.ge [sflag:s22], $0x1  }
0xa7: {  	[sflag:s22] =	ssyncset.done $0x0  }
0xa8: {  	s23 =	simm.s32 $0x1B8E;
	[sflag:s22] =	ssyncadd.s32 $0xFFFFFFFF  }
0xa9: {  	s24 =	simm.s32 $execute0_lowered;
	[smem:$0x3FD2] =	sst s23  }
0xaa: {  	s4 =	sshll.u32 s24, $0x1;
	_ =	strace $0x80000046;
	[dreg:$0x1] =	wrdreg $0xFFFFFFFF  }
0xab: {  	s25 =	simm.s32 $_size_execute0_lowered;
	s3 =	sadd.s32 s3, s4;
	[dreg:$0x0] =	wrdreg $0x0  }
0xac: {  	s4 =	sshll.u32 s25, $0x1;
	[dreg:$0x2] =	wrdreg s3  }
0xad: {  	[dreg:$0x3] =	wrdreg s4  }
0xae: {  	[dreg:$0x4] =	wrdreg $0xC0  }
0xaf: {  	_ =	task [dreg:s7], $0x5FFFF  }
0xb0: {  	[dreg:$0x1] =	wrdreg $0xFFFFFFFF  }
0xb1: {  	[dreg:$0x0] =	wrdreg $0x60  }
0xb2: {  	[dreg:$0x2] =	wrdreg s14  }
0xb3: {  	[dreg:$0x3] =	wrdreg s2  }
0xb4: {  	[dreg:$0x4] =	wrdreg s15  }
0xb5: {  	[dreg:$0x5] =	wrdreg $0x9  }
0xb6: {  	_ =	task.clear_ibuf [dreg:s7], $0x6FFFF;
	_ =	strace $0x90000046  }
0xb7: {  	s26 =	simm.s32 $0x9;
	_ =	strace $0x80000048  }
0xb8: {  	_ =	swait.ge [sflag:s26], $0x1  }
0xb9: {  	[sflag:s26] =	ssyncadd.s32 $0xFFFFFFFF  }
0xba: {  	_ =	strace $0x90000048  }
0xbb: {  	_ =	sfence  }
0xbc: {  	s28 =	sld [smem:$0x0];
	_ =	sdelay $0x1  }
0xbd: {  	s29 =	srdreg.scid  }
0xbe: {  	s30 =	sshll.u32 s29, $0xD;
	s31 =	sshrl.u32 s29, $0x2  }
0xbf: {  	s1 =	sand.u32 $0x1, s29;
	s2 =	sand.u32 $0x4000, s30;
	s0 =	sadd.s32 s31, s28  }
0xc0: {  	s1 =	sor.u32 s2, s1;
	s0 =	sshll.u32 s0, $0x11  }
0xc1: {  	s0 =	sor.u32 s0, s1  }
0xc2: {  	s0 =	sadd.s32 $0x8F2B, s0  }
0xc3: {  	[sflag:s0] =	ssyncadd.remote.s32 $0x1  }
0xc4: {  	_ =	sfence.sel $0xFFFF  }
0xc5: {  	[dreg:$0x0] =	wrdreg $0xFFFFFFFF;
	(pc) =	sbr.abs _section_cstart, $3  }
0xc6: {  	[dreg:$0x1] =	wrdreg $0xFFFFFFFF  }
0xc7: {  	_ =	task.clear_ibuf [dreg:s7], $0x2FFFF;
	_ =	strace $0x9FFFFFFF  }
0xc8: {  	(tm) =	ssettm $0x7FFFFFFF  }
0xc9: {  	_ =	shalt  }
tec
execute0_lowered:
.L_overlay_start_1:
0x0: {  	(tag) =	ssettag $0x1  }
0x1: {  	s7 =	rddreg [dreg:$0x0]  }
0x2: {  	s8 =	rddreg [dreg:$0x1]  }
0x3: {  	s1 =	rddreg [dreg:$0x2]  }
0x4: {  	s0 =	rddreg [dreg:$0x3];
	s6 =	simm.s32 $0x0  }
0x5: {  	s2 =	stileid.u32;
	[smem:$0x7FF] =	sst s6  }
0x6: {  	s3 =	smul.u32 $0x4180, s2;
	p0 =	sne.s32 s2, $0x0;
	_ =	strace $0x80000047  }
0x7: {  	s2 =	sadd.s32 @!p0 $0x8300, s7;
	s4 =	simm.s32 @!p0 $0x0;
	s5 =	simm.s32 @!p0 $0xC480  }
0x8: {  	[tilespmem:s5], [sflag:$0x3] =	stream.linear.gather @!p0 [hbm4b:s2+s4], $0x93, $0x38;
	[tilespmem:$0xC680] =	vst v63  }
0x9: {  	s2 =	sshrl.u32 s3, $0x3;
	s3 =	sadd.s32 @!p0 $0x8300, s8;
	s5 =	simm.s32 @!p0 $0xC580  }
0xa: {  	[tilespmem:s5], [sflag:$0x3] =	stream.linear.gather @!p0 [hbm4b:s3+s4], $0x93, $0x38;
	[tilespmem:$0xC680] =	vst v63  }
0xb: {  	s19 =	sadd.s32 s7, s2  }
0xc: {  	[tilespmem:s6], [sflag:$0x1] =	stream.linear.gather [hbm4b:s19+s6], $0x1890, $0x38;
	[tilespmem:$0xC680] =	vst v63  }
0xd: {  	s21 =	simm.s32 $0x4180;
	s20 =	sadd.s32 s8, s2;
	s3 =	sadd.s32 $0x312, s2  }
0xe: {  	[tilespmem:s21], [sflag:$0x1] =	stream.linear.gather [hbm4b:s20+s6], $0x1890, $0x38;
	[tilespmem:$0xC680] =	vst v63  }
0xf: {  	s23 =	simm.s32 $0x1890;
	s22 =	sadd.s32 s7, s3  }
0x10: {  	[tilespmem:s23], [sflag:$0x1] =	stream.linear.gather [hbm4b:s22+s6], $0x1890, $0x38;
	[tilespmem:$0xC680] =	vst v63  }
0x11: {  	s9 =	simm.s32 $0x5A10;
	s4 =	sadd.s32 $0x624, s2;
	s24 =	sadd.s32 s8, s3  }
0x12: {  	[tilespmem:s9], [sflag:$0x1] =	stream.linear.gather [hbm4b:s24+s6], $0x1890, $0x38;
	[tilespmem:$0xC680] =	vst v63  }
0x13: {  	s26 =	simm.s32 $0x3120;
	s25 =	sadd.s32 s7, s4  }
0x14: {  	[tilespmem:s26], [sflag:$0x1] =	stream.linear.gather [hbm4b:s25+s6], $0x830, $0x38;
	[tilespmem:$0xC680] =	vst v63  }
0x15: {  	s10 =	simm.s32 $0x72A0;
	s28 =	sadd.s32 s8, s4  }
0x16: {  	[tilespmem:s10], [sflag:$0x1] =	stream.linear.gather [hbm4b:s28+s6], $0x830, $0x38;
	[tilespmem:$0xC680] =	vst v63  }
.Ltmp0:
0x17: {  	s5 =	sadd.s32 $0x72A, s2;
	(pc) =	sbr.rel @p0 .LBB2_2-.Ltmp0, $4  }
0x18: {  	s29 =	simm.s32 $0x3950;
	s7 =	sadd.s32 s7, s5  }
0x19: {  	[tilespmem:s29], [sflag:$0x1] =	stream.linear.gather [hbm4b:s7+s6], $0x830, $0x38;
	[tilespmem:$0xC680] =	vst v63  }
0x1a: {  	s31 =	simm.s32 $0x7AD0;
	s30 =	sadd.s32 s8, s5  }
0x1b: {  	[tilespmem:s31], [sflag:$0x1] =	stream.linear.gather [hbm4b:s30+s6], $0x830, $0x38;
	[tilespmem:$0xC680] =	vst v63  }
0x1c: {  	s7 =	simm.s32 $0x3  }
0x1d: {  	_ =	swait.ge [sflag:s7], $0x93  }
0x1e: {  	[sflag:s7] =	ssyncset.done $0x0  }
0x1f: {  	[sflag:s7] =	ssyncadd.s32 $0xFFFFFF6D  }
0x20: {  	_ =	swait.ge [sflag:s7], $0x93  }
0x21: {  	[sflag:s7] =	ssyncset.done $0x0  }
0x22: {  	[sflag:s7] =	ssyncadd.s32 $0xFFFFFF6D  }
0x23: {  	v0 =	vld [tilespmem:$0xC480]  }
0x24: {  	v1 =	vld [tilespmem:$0xC580]  }
0x25: {  	v2 =	vld [tilespmem:$0xC490]  }
0x26: {  	v3 =	vld [tilespmem:$0xC590]  }
0x27: {  	v4 =	vld [tilespmem:$0xC4A0]  }
0x28: {  	v5 =	vld [tilespmem:$0xC5A0]  }
0x29: {  	v6 =	vld [tilespmem:$0xC4B0]  }
0x2a: {  	v7 =	vld [tilespmem:$0xC5B0]  }
0x2b: {  	v8 =	vld [tilespmem:$0xC4C0]  }
0x2c: {  	v9 =	vld [tilespmem:$0xC5C0]  }
0x2d: {  	v10 =	vld [tilespmem:$0xC4D0]  }
0x2e: {  	v11 =	vld [tilespmem:$0xC5D0]  }
0x2f: {  	v38 =	vld [tilespmem:$0xC5E0];
	v1 =	vadd.f32 $8.999999760e-01, v1  }
0x30: {  	v12 =	vld [tilespmem:$0xC4E0];
	v0 =	vmul.f32 $1.111111160e+00, v0;
	v37 =	vadd.f32 $8.999999760e-01, v3;
	v2 =	vmul.f32 $1.111111160e+00, v2  }
0x31: {  	v41 =	vld [tilespmem:$0xC5F0];
	v5 =	vadd.f32 $8.999999760e-01, v5;
	v39 =	vmul.f32 $1.111111160e+00, v4;
	v40 =	vadd.f32 $8.999999760e-01, v7  }
0x32: {  	v13 =	vld [tilespmem:$0xC4F0];
	v42 =	vmul.f32 $1.111111160e+00, v6;
	v44 =	vadd.f32 $8.999999760e-01, v9;
	v47 =	vmul.f32 $1.111111160e+00, v8  }
0x33: {  	v45 =	vld [tilespmem:$0xC600];
	v48 =	vadd.f32 $8.999999760e-01, v11;
	v50 =	vmul.f32 $1.111111160e+00, v10;
	vm0 =	vge.f32 v1, $1.000000000e+00  }
0x34: {  	v49 =	vld [tilespmem:$0xC610];
	v3 =	vadd.f32 $8.999999760e-01, v38;
	vm7 =	vge.f32 v37, $1.000000000e+00;
	v0 =	vnsel vm0, $0x0, v0  }
0x35: {  	v51 =	vld [tilespmem:$0xC510];
	v53 =	vmul.f32 $1.111111160e+00, v12;
	vm8 =	vge.f32 v5, $1.000000000e+00;
	v2 =	vnsel vm7, $0x0, v2;
	[tilespmem:$0xC480] =	vst v0  }
0x36: {  	v43 =	vld [tilespmem:$0xC500];
	v55 =	vadd.f32 $8.999999760e-01, v41;
	vm9 =	vge.f32 v40, $1.000000000e+00;
	v1 =	vnsel vm8, $0x0, v39;
	[tilespmem:$0xC490] =	vst v2  }
0x37: {  	v57 =	vmul.f32 $1.111111160e+00, v13;
	vm10 =	vge.f32 v44, $1.000000000e+00;
	v46 =	vnsel vm9, $0x0, v42;
	[tilespmem:$0xC4A0] =	vst v1  }
0x38: {  	v58 =	vadd.f32 $8.999999760e-01, v45;
	vm11 =	vge.f32 v48, $1.000000000e+00;
	v52 =	vnsel vm10, $0x0, v47;
	[tilespmem:$0xC4B0] =	vst v46  }
0x39: {  	v60 =	vadd.f32 $8.999999760e-01, v49;
	vm12 =	vge.f32 v3, $1.000000000e+00;
	v54 =	vnsel vm11, $0x0, v50;
	[tilespmem:$0xC4C0] =	vst v52  }
0x3a: {  	v62 =	vmul.f32 $1.111111160e+00, v51;
	vm13 =	vge.f32 v55, $1.000000000e+00;
	v56 =	vnsel vm12, $0x0, v53;
	[tilespmem:$0xC4D0] =	vst v54  }
0x3b: {  	v59 =	vmul.f32 $1.111111160e+00, v43;
	vm15 =	vge.f32 v60, $1.000000000e+00;
	v61 =	vnsel vm13, $0x0, v57;
	[tilespmem:$0xC4E0] =	vst v56  }
0x3c: {  	vm14 =	vge.f32 v58, $1.000000000e+00;
	v63 =	vnsel vm15, $0x0, v62;
	[tilespmem:$0xC4F0] =	vst v61  }
0x3d: {  	v0 =	vnsel vm14, $0x0, v59;
	[tilespmem:$0xC510] =	vst v63  }
0x3e: {  	s31 =	sadd.s32 $0x8300, s1;
	s8 =	simm.s32 $0xC480;
	[tilespmem:$0xC500] =	vst v0  }
0x3f: {  	[hbm4b:s31+s6] =	stream.linear.scatter [tilespmem:s8], [sflag:$0x3], $0x93, $0x38;
	[tilespmem:$0xC680] =	vst v63  }
.LBB2_2:
0x40: {  	s6 =	simm.s32 $0x1  }
0x41: {  	_ =	swait.ge [sflag:s6], $0x1890  }
0x42: {  	[sflag:s6] =	ssyncset.done $0x0  }
0x43: {  	[sflag:s6] =	ssyncadd.s32 $0xFFFFE770  }
0x44: {  	_ =	swait.ge [sflag:s6], $0x1890  }
0x45: {  	[sflag:s6] =	ssyncset.done $0x0  }
0x46: {  	s31 =	simm.s32 $0x41C0;
	[sflag:s6] =	ssyncadd.s32 $0xFFFFE770  }
0x47: {  	s7 =	simm.s32 $0x40;
	v0 =	vld [tilespmem:s31+$0x30]  }
0x48: {  	v1 =	vld [tilespmem:s7+$0x30]  }
0x49: {  	v2 =	vld [tilespmem:s31+$0xFFFFFFC0]  }
0x4a: {  	v3 =	vld [tilespmem:s31+$0xFFFFFFD0]  }
0x4b: {  	v4 =	vld [tilespmem:s31+$0xFFFFFFE0]  }
0x4c: {  	v5 =	vld [tilespmem:s31+$0xFFFFFFF0]  }
0x4d: {  	v6 =	vld [tilespmem:s31+$0x0]  }
0x4e: {  	v7 =	vld [tilespmem:s31+$0x10]  }
0x4f: {  	v8 =	vld [tilespmem:s31+$0x20];
	v0 =	vadd.f32 $8.999999760e-01, v0  }
0x50: {  	v9 =	vld [tilespmem:s7+$0xFFFFFFD0];
	v2 =	vadd.f32 $8.999999760e-01, v2;
	v3 =	vadd.f32 $8.999999760e-01, v3  }
0x51: {  	v10 =	vld [tilespmem:s7+$0xFFFFFFE0];
	vm4 =	vge.f32 v0, $1.000000000e+00;
	v0 =	vadd.f32 $8.999999760e-01, v4  }
0x52: {  	vm0 =	vge.f32 v2, $1.000000000e+00;
	vm3 =	vge.f32 v3, $1.000000000e+00;
	v3 =	vadd.f32 $8.999999760e-01, v5;
	v2 =	vld [tilespmem:s7+$0xFFFFFFF0]  }
0x53: {  	v4 =	vmul.f32 $1.111111160e+00, v1;
	v5 =	vadd.f32 $8.999999760e-01, v6;
	vm1 =	vge.f32 v0, $1.000000000e+00;
	v0 =	vld [tilespmem:s7+$0x0]  }
0x54: {  	s3 =	sadd.s32 s1, s3;
	v6 =	vadd.f32 $8.999999760e-01, v7;
	v1 =	vld [tilespmem:s7+$0x10];
	v7 =	vadd.f32 $8.999999760e-01, v8;
	vm2 =	vge.f32 v3, $1.000000000e+00  }
0x55: {  	s6 =	sadd.s32 s1, s2;
	s2 =	sadd.s32 s1, s4;
	s4 =	simm.s32 $0x8340;
	v4 =	vnsel vm4, $0x0, v4;
	vm4 =	vge.f32 v5, $1.000000000e+00;
	v5 =	vmul.f32 $1.111111160e+00, v9;
	v3 =	vld [tilespmem:s7+$0x20]  }
0x56: {  	s8 =	simm.s32 $0x4240;
	s1 =	sadd.s32 s1, s5;
	s5 =	simm.s32 $0x0;
	vm5 =	vge.f32 v6, $1.000000000e+00;
	v6 =	vmul.f32 $1.111111160e+00, v10;
	vm6 =	vge.f32 v7, $1.000000000e+00;
	[tilespmem:s4+$0x30] =	vst v4;
	v4 =	vld [tilespmem:s7+$0xFFFFFFC0]  }
.LBB2_3:
0x57: {  	v7 =	vld [tilespmem:s8+$0x30];
	s5 =	sadd.s32 $0x80, s5;
	v5 =	vnsel vm3, $0x0, v5;
	v2 =	vmul.f32 $1.111111160e+00, v2;
	s7 =	sadd.s32 $0x80, s7  }
0x58: {  	v8 =	vld [tilespmem:s7+$0x30];
	p1 =	slt.u32 s5, $0x1800;
	[tilespmem:s4+$0xFFFFFFD0] =	vst v5;
	v5 =	vnsel vm1, $0x0, v6;
	v0 =	vmul.f32 $1.111111160e+00, v0  }
0x59: {  	v6 =	vld [tilespmem:s8+$0xFFFFFFC0];
	[tilespmem:s4+$0xFFFFFFE0] =	vst v5;
	v2 =	vnsel vm2, $0x0, v2;
	v1 =	vmul.f32 $1.111111160e+00, v1  }
0x5a: {  	v5 =	vld [tilespmem:s8+$0xFFFFFFD0];
	[tilespmem:s4+$0xFFFFFFF0] =	vst v2;
	v0 =	vnsel vm4, $0x0, v0;
	v2 =	vmul.f32 $1.111111160e+00, v3  }
0x5b: {  	v3 =	vld [tilespmem:s8+$0xFFFFFFE0];
	v4 =	vmul.f32 $1.111111160e+00, v4;
	[tilespmem:s4+$0x0] =	vst v0;
	v0 =	vnsel vm5, $0x0, v1  }
0x5c: {  	v1 =	vld [tilespmem:s8+$0xFFFFFFF0];
	v7 =	vadd.f32 $8.999999760e-01, v7;
	[tilespmem:s4+$0x10] =	vst v0;
	v0 =	vnsel vm6, $0x0, v2  }
0x5d: {  	v9 =	vld [tilespmem:s8+$0x0];
	v2 =	vmul.f32 $1.111111160e+00, v8;
	v4 =	vnsel vm0, $0x0, v4;
	[tilespmem:s4+$0x20] =	vst v0  }
0x5e: {  	v0 =	vadd.f32 $8.999999760e-01, v6;
	v6 =	vld [tilespmem:s8+$0x10];
	vm0 =	vge.f32 v7, $1.000000000e+00;
	[tilespmem:s4+$0xFFFFFFC0] =	vst v4  }
0x5f: {  	s4 =	sadd.s32 $0x80, s4;
	v4 =	vadd.f32 $8.999999760e-01, v5;
	v5 =	vld [tilespmem:s8+$0x20];
	v2 =	vnsel vm0, $0x0, v2  }
0x60: {  	vm0 =	vge.f32 v0, $1.000000000e+00;
	v7 =	vld [tilespmem:s7+$0xFFFFFFD0];
	v0 =	vadd.f32 $8.999999760e-01, v3;
	[tilespmem:s4+$0x30] =	vst v2  }
0x61: {  	vm3 =	vge.f32 v4, $1.000000000e+00;
	v8 =	vld [tilespmem:s7+$0xFFFFFFE0];
	v1 =	vadd.f32 $8.999999760e-01, v1  }
.Ltmp1:
0x62: {  	vm1 =	vge.f32 v0, $1.000000000e+00;
	v2 =	vld [tilespmem:s7+$0xFFFFFFF0];
	v3 =	vadd.f32 $8.999999760e-01, v9;
	(pc) =	sbr.rel @p1 .LBB2_3-.Ltmp1, $4  }
0x63: {  	vm2 =	vge.f32 v1, $1.000000000e+00;
	v0 =	vld [tilespmem:s7+$0x0];
	v4 =	vadd.f32 $8.999999760e-01, v6  }
0x64: {  	vm4 =	vge.f32 v3, $1.000000000e+00;
	v1 =	vld [tilespmem:s7+$0x10];
	v9 =	vadd.f32 $8.999999760e-01, v5  }
0x65: {  	v5 =	vmul.f32 $1.111111160e+00, v7;
	vm5 =	vge.f32 v4, $1.000000000e+00;
	v3 =	vld [tilespmem:s7+$0x20]  }
0x66: {  	s8 =	sadd.s32 $0x80, s8;
	v4 =	vld [tilespmem:s7+$0xFFFFFFC0];
	v6 =	vmul.f32 $1.111111160e+00, v8;
	vm6 =	vge.f32 v9, $1.000000000e+00  }
0x67: {  	v5 =	vnsel vm3, $0x0, v5;
	v2 =	vmul.f32 $1.111111160e+00, v2  }
0x68: {  	[tilespmem:s4+$0xFFFFFFD0] =	vst v5;
	v5 =	vnsel vm1, $0x0, v6;
	v0 =	vmul.f32 $1.111111160e+00, v0  }
0x69: {  	[tilespmem:s4+$0xFFFFFFE0] =	vst v5;
	v2 =	vnsel vm2, $0x0, v2;
	v1 =	vmul.f32 $1.111111160e+00, v1  }
0x6a: {  	[tilespmem:s4+$0xFFFFFFF0] =	vst v2;
	v0 =	vnsel vm4, $0x0, v0;
	v2 =	vmul.f32 $1.111111160e+00, v3  }
0x6b: {  	v3 =	vmul.f32 $1.111111160e+00, v4;
	[tilespmem:s4+$0x0] =	vst v0;
	v0 =	vnsel vm5, $0x0, v1  }
0x6c: {  	[tilespmem:s4+$0x10] =	vst v0;
	v0 =	vnsel vm6, $0x0, v2  }
0x6d: {  	v1 =	vnsel vm0, $0x0, v3;
	[tilespmem:s4+$0x20] =	vst v0  }
0x6e: {  	[tilespmem:s4+$0xFFFFFFC0] =	vst v1  }
0x6f: {  	v0 =	vld [tilespmem:$0x5A00]  }
0x70: {  	v1 =	vld [tilespmem:$0x1880];
	_ =	sdelay $0x3  }
0x71: {  	v0 =	vadd.f32 $8.999999760e-01, v0  }
0x72: {  	v1 =	vmul.f32 $1.111111160e+00, v1  }
0x73: {  	vm0 =	vge.f32 v0, $1.000000000e+00  }
0x74: {  	v0 =	vnsel vm0, $0x0, v1  }
0x75: {  	s29 =	simm.s32 $0x0;
	s5 =	simm.s32 $0x8300;
	s30 =	simm.s32 $0x1;
	[tilespmem:$0x9B80] =	vst v0  }
0x76: {  	[hbm4b:s6+s29] =	stream.linear.scatter [tilespmem:s5], [sflag:$0x2], $0x1890, $0x38;
	[tilespmem:$0xC680] =	vst v63  }
0x77: {  	_ =	swait.ge [sflag:s30], $0x1890  }
0x78: {  	[sflag:s30] =	ssyncset.done $0x0  }
0x79: {  	[sflag:s30] =	ssyncadd.s32 $0xFFFFE770  }
0x7a: {  	_ =	swait.ge [sflag:s30], $0x1890  }
0x7b: {  	[sflag:s30] =	ssyncset.done $0x0  }
0x7c: {  	s31 =	simm.s32 $0x5A80;
	[sflag:s30] =	ssyncadd.s32 $0xFFFFE770  }
0x7d: {  	s4 =	simm.s32 $0x1900;
	v0 =	vld [tilespmem:s31+$0x0]  }
0x7e: {  	v1 =	vld [tilespmem:s4+$0x0]  }
0x7f: {  	v2 =	vld [tilespmem:s31+$0xFFFFFF90]  }
0x80: {  	v3 =	vld [tilespmem:s31+$0xFFFFFFA0]  }
0x81: {  	v4 =	vld [tilespmem:s31+$0xFFFFFFB0]  }
0x82: {  	v5 =	vld [tilespmem:s31+$0xFFFFFFC0]  }
0x83: {  	v6 =	vld [tilespmem:s31+$0xFFFFFFD0]  }
0x84: {  	v7 =	vld [tilespmem:s31+$0xFFFFFFE0]  }
0x85: {  	v8 =	vld [tilespmem:s31+$0xFFFFFFF0];
	v0 =	vadd.f32 $8.999999760e-01, v0  }
0x86: {  	v9 =	vld [tilespmem:s4+$0xFFFFFFA0];
	v2 =	vadd.f32 $8.999999760e-01, v2;
	v3 =	vadd.f32 $8.999999760e-01, v3  }
0x87: {  	v10 =	vld [tilespmem:s4+$0xFFFFFFB0];
	vm3 =	vge.f32 v0, $1.000000000e+00;
	v0 =	vadd.f32 $8.999999760e-01, v4  }
0x88: {  	vm0 =	vge.f32 v2, $1.000000000e+00;
	vm5 =	vge.f32 v3, $1.000000000e+00;
	v3 =	vadd.f32 $8.999999760e-01, v5;
	v2 =	vld [tilespmem:s4+$0xFFFFFFC0]  }
0x89: {  	v4 =	vmul.f32 $1.111111160e+00, v1;
	v5 =	vadd.f32 $8.999999760e-01, v6;
	v1 =	vld [tilespmem:s4+$0xFFFFFFD0];
	v6 =	vadd.f32 $8.999999760e-01, v7  }
0x8a: {  	v7 =	vadd.f32 $8.999999760e-01, v8;
	vm2 =	vge.f32 v0, $1.000000000e+00;
	vm1 =	vge.f32 v3, $1.000000000e+00;
	v0 =	vld [tilespmem:s4+$0xFFFFFFE0]  }
0x8b: {  	s5 =	simm.s32 $0x9C00;
	v4 =	vnsel vm3, $0x0, v4;
	vm3 =	vge.f32 v5, $1.000000000e+00;
	v5 =	vmul.f32 $1.111111160e+00, v9;
	v3 =	vld [tilespmem:s4+$0xFFFFFFF0]  }
0x8c: {  	s7 =	simm.s32 $0x5B00;
	s6 =	simm.s32 $0x1890;
	vm4 =	vge.f32 v6, $1.000000000e+00;
	v6 =	vmul.f32 $1.111111160e+00, v10;
	vm6 =	vge.f32 v7, $1.000000000e+00;
	[tilespmem:s5+$0x0] =	vst v4;
	v4 =	vld [tilespmem:s4+$0xFFFFFF90]  }
.LBB2_5:
0x8d: {  	v7 =	vld [tilespmem:s7+$0x0];
	s6 =	sadd.s32 $0x80, s6;
	v5 =	vnsel vm5, $0x0, v5;
	v2 =	vmul.f32 $1.111111160e+00, v2;
	s4 =	sadd.s32 $0x80, s4  }
0x8e: {  	v8 =	vld [tilespmem:s4+$0x0];
	p1 =	slt.u32 s6, $0x3090;
	[tilespmem:s5+$0xFFFFFFA0] =	vst v5;
	v5 =	vnsel vm2, $0x0, v6;
	v1 =	vmul.f32 $1.111111160e+00, v1  }
0x8f: {  	v6 =	vld [tilespmem:s7+$0xFFFFFF90];
	[tilespmem:s5+$0xFFFFFFB0] =	vst v5;
	v2 =	vnsel vm1, $0x0, v2;
	v0 =	vmul.f32 $1.111111160e+00, v0  }
0x90: {  	v5 =	vld [tilespmem:s7+$0xFFFFFFA0];
	[tilespmem:s5+$0xFFFFFFC0] =	vst v2;
	v1 =	vnsel vm3, $0x0, v1;
	v2 =	vmul.f32 $1.111111160e+00, v3  }
0x91: {  	v3 =	vld [tilespmem:s7+$0xFFFFFFB0];
	v4 =	vmul.f32 $1.111111160e+00, v4;
	[tilespmem:s5+$0xFFFFFFD0] =	vst v1;
	v0 =	vnsel vm4, $0x0, v0  }
0x92: {  	v1 =	vld [tilespmem:s7+$0xFFFFFFC0];
	v7 =	vadd.f32 $8.999999760e-01, v7;
	[tilespmem:s5+$0xFFFFFFE0] =	vst v0;
	v0 =	vnsel vm6, $0x0, v2  }
0x93: {  	v9 =	vld [tilespmem:s7+$0xFFFFFFD0];
	v2 =	vmul.f32 $1.111111160e+00, v8;
	v4 =	vnsel vm0, $0x0, v4;
	[tilespmem:s5+$0xFFFFFFF0] =	vst v0  }
0x94: {  	v0 =	vadd.f32 $8.999999760e-01, v6;
	v6 =	vld [tilespmem:s7+$0xFFFFFFE0];
	vm0 =	vge.f32 v7, $1.000000000e+00;
	[tilespmem:s5+$0xFFFFFF90] =	vst v4  }
0x95: {  	s5 =	sadd.s32 $0x80, s5;
	v4 =	vadd.f32 $8.999999760e-01, v5;
	v5 =	vld [tilespmem:s7+$0xFFFFFFF0];
	v2 =	vnsel vm0, $0x0, v2  }
0x96: {  	vm0 =	vge.f32 v0, $1.000000000e+00;
	v7 =	vld [tilespmem:s4+$0xFFFFFFA0];
	v0 =	vadd.f32 $8.999999760e-01, v3;
	[tilespmem:s5+$0x0] =	vst v2  }
0x97: {  	vm5 =	vge.f32 v4, $1.000000000e+00;
	v8 =	vld [tilespmem:s4+$0xFFFFFFB0];
	v1 =	vadd.f32 $8.999999760e-01, v1  }
.Ltmp2:
0x98: {  	vm2 =	vge.f32 v0, $1.000000000e+00;
	v2 =	vld [tilespmem:s4+$0xFFFFFFC0];
	v0 =	vadd.f32 $8.999999760e-01, v9;
	(pc) =	sbr.rel @p1 .LBB2_5-.Ltmp2, $4  }
0x99: {  	vm1 =	vge.f32 v1, $1.000000000e+00;
	v1 =	vld [tilespmem:s4+$0xFFFFFFD0];
	v3 =	vadd.f32 $8.999999760e-01, v6  }
0x9a: {  	vm3 =	vge.f32 v0, $1.000000000e+00;
	v0 =	vld [tilespmem:s4+$0xFFFFFFE0];
	v9 =	vadd.f32 $8.999999760e-01, v5  }
0x9b: {  	v5 =	vmul.f32 $1.111111160e+00, v7;
	vm4 =	vge.f32 v3, $1.000000000e+00;
	v3 =	vld [tilespmem:s4+$0xFFFFFFF0]  }
0x9c: {  	s7 =	sadd.s32 $0x80, s7;
	v4 =	vld [tilespmem:s4+$0xFFFFFF90];
	v6 =	vmul.f32 $1.111111160e+00, v8;
	vm6 =	vge.f32 v9, $1.000000000e+00  }
0x9d: {  	v5 =	vnsel vm5, $0x0, v5;
	v2 =	vmul.f32 $1.111111160e+00, v2  }
0x9e: {  	[tilespmem:s5+$0xFFFFFFA0] =	vst v5;
	v5 =	vnsel vm2, $0x0, v6;
	v1 =	vmul.f32 $1.111111160e+00, v1  }
0x9f: {  	[tilespmem:s5+$0xFFFFFFB0] =	vst v5;
	v2 =	vnsel vm1, $0x0, v2;
	v0 =	vmul.f32 $1.111111160e+00, v0  }
0xa0: {  	[tilespmem:s5+$0xFFFFFFC0] =	vst v2;
	v1 =	vnsel vm3, $0x0, v1;
	v2 =	vmul.f32 $1.111111160e+00, v3  }
0xa1: {  	v3 =	vmul.f32 $1.111111160e+00, v4;
	[tilespmem:s5+$0xFFFFFFD0] =	vst v1;
	v0 =	vnsel vm4, $0x0, v0  }
0xa2: {  	[tilespmem:s5+$0xFFFFFFE0] =	vst v0;
	v0 =	vnsel vm6, $0x0, v2  }
0xa3: {  	v1 =	vnsel vm0, $0x0, v3;
	[tilespmem:s5+$0xFFFFFFF0] =	vst v0  }
0xa4: {  	[tilespmem:s5+$0xFFFFFF90] =	vst v1  }
0xa5: {  	v0 =	vld [tilespmem:$0x7290]  }
0xa6: {  	v1 =	vld [tilespmem:$0x3110];
	_ =	sdelay $0x3  }
0xa7: {  	v0 =	vadd.f32 $8.999999760e-01, v0  }
0xa8: {  	v1 =	vmul.f32 $1.111111160e+00, v1  }
0xa9: {  	vm0 =	vge.f32 v0, $1.000000000e+00  }
0xaa: {  	v0 =	vnsel vm0, $0x0, v1  }
0xab: {  	s4 =	simm.s32 $0x0;
	s29 =	simm.s32 $0x9B90;
	s30 =	simm.s32 $0x1;
	[tilespmem:$0xB410] =	vst v0  }
0xac: {  	[hbm4b:s3+s4] =	stream.linear.scatter [tilespmem:s29], [sflag:$0x2], $0x1890, $0x38;
	[tilespmem:$0xC680] =	vst v63  }
0xad: {  	_ =	swait.ge [sflag:s30], $0x830  }
0xae: {  	[sflag:s30] =	ssyncset.done $0x0  }
0xaf: {  	[sflag:s30] =	ssyncadd.s32 $0xFFFFF7D0  }
0xb0: {  	_ =	swait.ge [sflag:s30], $0x830  }
0xb1: {  	[sflag:s30] =	ssyncset.done $0x0  }
0xb2: {  	s31 =	simm.s32 $0x7310;
	[sflag:s30] =	ssyncadd.s32 $0xFFFFF7D0  }
0xb3: {  	s3 =	simm.s32 $0x3190;
	v0 =	vld [tilespmem:s31+$0x0]  }
0xb4: {  	v1 =	vld [tilespmem:s3+$0x0]  }
0xb5: {  	v2 =	vld [tilespmem:s31+$0xFFFFFF90]  }
0xb6: {  	v3 =	vld [tilespmem:s31+$0xFFFFFFA0]  }
0xb7: {  	v4 =	vld [tilespmem:s31+$0xFFFFFFB0]  }
0xb8: {  	v5 =	vld [tilespmem:s31+$0xFFFFFFC0]  }
0xb9: {  	v6 =	vld [tilespmem:s31+$0xFFFFFFD0]  }
0xba: {  	v7 =	vld [tilespmem:s31+$0xFFFFFFE0]  }
0xbb: {  	v8 =	vld [tilespmem:s31+$0xFFFFFFF0];
	v0 =	vadd.f32 $8.999999760e-01, v0  }
0xbc: {  	v9 =	vld [tilespmem:s3+$0xFFFFFFA0];
	v2 =	vadd.f32 $8.999999760e-01, v2;
	v3 =	vadd.f32 $8.999999760e-01, v3  }
0xbd: {  	v10 =	vld [tilespmem:s3+$0xFFFFFFB0];
	vm3 =	vge.f32 v0, $1.000000000e+00;
	v0 =	vadd.f32 $8.999999760e-01, v4  }
0xbe: {  	vm0 =	vge.f32 v2, $1.000000000e+00;
	vm5 =	vge.f32 v3, $1.000000000e+00;
	v3 =	vadd.f32 $8.999999760e-01, v5;
	v2 =	vld [tilespmem:s3+$0xFFFFFFC0]  }
0xbf: {  	v4 =	vmul.f32 $1.111111160e+00, v1;
	v5 =	vadd.f32 $8.999999760e-01, v6;
	v1 =	vld [tilespmem:s3+$0xFFFFFFD0];
	v6 =	vadd.f32 $8.999999760e-01, v7  }
0xc0: {  	v7 =	vadd.f32 $8.999999760e-01, v8;
	vm2 =	vge.f32 v0, $1.000000000e+00;
	vm1 =	vge.f32 v3, $1.000000000e+00;
	v0 =	vld [tilespmem:s3+$0xFFFFFFE0]  }
0xc1: {  	s4 =	simm.s32 $0xB490;
	v4 =	vnsel vm3, $0x0, v4;
	vm3 =	vge.f32 v5, $1.000000000e+00;
	v5 =	vmul.f32 $1.111111160e+00, v9;
	v3 =	vld [tilespmem:s3+$0xFFFFFFF0]  }
0xc2: {  	s6 =	simm.s32 $0x7390;
	s5 =	simm.s32 $0x3120;
	vm4 =	vge.f32 v6, $1.000000000e+00;
	v6 =	vmul.f32 $1.111111160e+00, v10;
	vm6 =	vge.f32 v7, $1.000000000e+00;
	[tilespmem:s4+$0x0] =	vst v4;
	v4 =	vld [tilespmem:s3+$0xFFFFFF90]  }
.LBB2_7:
0xc3: {  	v7 =	vld [tilespmem:s6+$0x0];
	s5 =	sadd.s32 $0x80, s5;
	v5 =	vnsel vm5, $0x0, v5;
	v2 =	vmul.f32 $1.111111160e+00, v2;
	s3 =	sadd.s32 $0x80, s3  }
0xc4: {  	v8 =	vld [tilespmem:s3+$0x0];
	p1 =	slt.u32 s5, $0x38A0;
	[tilespmem:s4+$0xFFFFFFA0] =	vst v5;
	v5 =	vnsel vm2, $0x0, v6;
	v1 =	vmul.f32 $1.111111160e+00, v1  }
0xc5: {  	v6 =	vld [tilespmem:s6+$0xFFFFFF90];
	[tilespmem:s4+$0xFFFFFFB0] =	vst v5;
	v2 =	vnsel vm1, $0x0, v2;
	v0 =	vmul.f32 $1.111111160e+00, v0  }
0xc6: {  	v5 =	vld [tilespmem:s6+$0xFFFFFFA0];
	[tilespmem:s4+$0xFFFFFFC0] =	vst v2;
	v1 =	vnsel vm3, $0x0, v1;
	v2 =	vmul.f32 $1.111111160e+00, v3  }
0xc7: {  	v3 =	vld [tilespmem:s6+$0xFFFFFFB0];
	v4 =	vmul.f32 $1.111111160e+00, v4;
	[tilespmem:s4+$0xFFFFFFD0] =	vst v1;
	v0 =	vnsel vm4, $0x0, v0  }
0xc8: {  	v1 =	vld [tilespmem:s6+$0xFFFFFFC0];
	v7 =	vadd.f32 $8.999999760e-01, v7;
	[tilespmem:s4+$0xFFFFFFE0] =	vst v0;
	v0 =	vnsel vm6, $0x0, v2  }
0xc9: {  	v9 =	vld [tilespmem:s6+$0xFFFFFFD0];
	v2 =	vmul.f32 $1.111111160e+00, v8;
	v4 =	vnsel vm0, $0x0, v4;
	[tilespmem:s4+$0xFFFFFFF0] =	vst v0  }
0xca: {  	v0 =	vadd.f32 $8.999999760e-01, v6;
	v6 =	vld [tilespmem:s6+$0xFFFFFFE0];
	vm0 =	vge.f32 v7, $1.000000000e+00;
	[tilespmem:s4+$0xFFFFFF90] =	vst v4  }
0xcb: {  	s4 =	sadd.s32 $0x80, s4;
	v4 =	vadd.f32 $8.999999760e-01, v5;
	v5 =	vld [tilespmem:s6+$0xFFFFFFF0];
	v2 =	vnsel vm0, $0x0, v2  }
0xcc: {  	vm0 =	vge.f32 v0, $1.000000000e+00;
	v7 =	vld [tilespmem:s3+$0xFFFFFFA0];
	v0 =	vadd.f32 $8.999999760e-01, v3;
	[tilespmem:s4+$0x0] =	vst v2  }
0xcd: {  	vm5 =	vge.f32 v4, $1.000000000e+00;
	v8 =	vld [tilespmem:s3+$0xFFFFFFB0];
	v1 =	vadd.f32 $8.999999760e-01, v1  }
.Ltmp3:
0xce: {  	vm2 =	vge.f32 v0, $1.000000000e+00;
	v2 =	vld [tilespmem:s3+$0xFFFFFFC0];
	v0 =	vadd.f32 $8.999999760e-01, v9;
	(pc) =	sbr.rel @p1 .LBB2_7-.Ltmp3, $4  }
0xcf: {  	vm1 =	vge.f32 v1, $1.000000000e+00;
	v1 =	vld [tilespmem:s3+$0xFFFFFFD0];
	v3 =	vadd.f32 $8.999999760e-01, v6  }
0xd0: {  	vm3 =	vge.f32 v0, $1.000000000e+00;
	v0 =	vld [tilespmem:s3+$0xFFFFFFE0];
	v9 =	vadd.f32 $8.999999760e-01, v5  }
0xd1: {  	v5 =	vmul.f32 $1.111111160e+00, v7;
	vm4 =	vge.f32 v3, $1.000000000e+00;
	v3 =	vld [tilespmem:s3+$0xFFFFFFF0]  }
0xd2: {  	s6 =	sadd.s32 $0x80, s6;
	v4 =	vld [tilespmem:s3+$0xFFFFFF90];
	v6 =	vmul.f32 $1.111111160e+00, v8;
	vm6 =	vge.f32 v9, $1.000000000e+00  }
0xd3: {  	v5 =	vnsel vm5, $0x0, v5;
	v2 =	vmul.f32 $1.111111160e+00, v2  }
0xd4: {  	[tilespmem:s4+$0xFFFFFFA0] =	vst v5;
	v59 =	vnsel vm2, $0x0, v6;
	v1 =	vmul.f32 $1.111111160e+00, v1  }
0xd5: {  	[tilespmem:s4+$0xFFFFFFB0] =	vst v59;
	v2 =	vnsel vm1, $0x0, v2;
	v0 =	vmul.f32 $1.111111160e+00, v0  }
0xd6: {  	[tilespmem:s4+$0xFFFFFFC0] =	vst v2;
	v1 =	vnsel vm3, $0x0, v1;
	v60 =	vmul.f32 $1.111111160e+00, v3  }
0xd7: {  	v61 =	vmul.f32 $1.111111160e+00, v4;
	[tilespmem:s4+$0xFFFFFFD0] =	vst v1;
	v0 =	vnsel vm4, $0x0, v0  }
0xd8: {  	[tilespmem:s4+$0xFFFFFFE0] =	vst v0;
	v62 =	vnsel vm6, $0x0, v60  }
0xd9: {  	s3 =	simm.s32 $0x3910;
	v63 =	vnsel vm0, $0x0, v61;
	[tilespmem:s4+$0xFFFFFFF0] =	vst v62  }
0xda: {  	s5 =	simm.s32 $0x7AA0;
	s6 =	simm.s32 $0x3920;
	[tilespmem:s4+$0xFFFFFF90] =	vst v63;
	s4 =	simm.s32 $0xBC20  }
.LBB2_9:
0xdb: {  	v0 =	vld [tilespmem:s5+$0x0]  }
0xdc: {  	v1 =	vld [tilespmem:s6+$0x0];
	_ =	sdelay $0x1  }
0xdd: {  	s3 =	sadd.s32 $0x10, s3  }
0xde: {  	p1 =	slt.u32 s3, $0x3940  }
.Ltmp4:
0xdf: {  	v0 =	vadd.f32 $8.999999760e-01, v0;
	(pc) =	sbr.rel @p1 .LBB2_9-.Ltmp4, $4  }
0xe0: {  	v1 =	vmul.f32 $1.111111160e+00, v1  }
0xe1: {  	vm0 =	vge.f32 v0, $1.000000000e+00  }
0xe2: {  	v0 =	vnsel vm0, $0x0, v1  }
0xe3: {  	s5 =	sadd.s32 $0x10, s5;
	s6 =	sadd.s32 $0x10, s6;
	[tilespmem:s4+$0x0] =	vst v0;
	s4 =	sadd.s32 $0x10, s4  }
0xe4: {  	s3 =	simm.s32 $0x0;
	s4 =	simm.s32 $0xB420;
	s30 =	simm.s32 $0x1  }
0xe5: {  	[hbm4b:s2+s3] =	stream.linear.scatter [tilespmem:s4], [sflag:$0x2], $0x830, $0x38;
	[tilespmem:$0xC680] =	vst v63  }
0xe6: {  	_ =	swait.ge [sflag:s30], $0x830  }
0xe7: {  	[sflag:s30] =	ssyncset.done $0x0  }
0xe8: {  	[sflag:s30] =	ssyncadd.s32 $0xFFFFF7D0  }
0xe9: {  	_ =	swait.ge [sflag:s30], $0x830  }
0xea: {  	[sflag:s30] =	ssyncset.done $0x0  }
0xeb: {  	s31 =	simm.s32 $0x7B40;
	[sflag:s30] =	ssyncadd.s32 $0xFFFFF7D0  }
0xec: {  	s2 =	simm.s32 $0x39C0;
	v0 =	vld [tilespmem:s31+$0x0]  }
0xed: {  	v1 =	vld [tilespmem:s2+$0x0]  }
0xee: {  	v2 =	vld [tilespmem:s31+$0xFFFFFF90]  }
0xef: {  	v3 =	vld [tilespmem:s31+$0xFFFFFFA0]  }
0xf0: {  	v4 =	vld [tilespmem:s31+$0xFFFFFFB0]  }
0xf1: {  	v5 =	vld [tilespmem:s31+$0xFFFFFFC0]  }
0xf2: {  	v6 =	vld [tilespmem:s31+$0xFFFFFFD0]  }
0xf3: {  	v7 =	vld [tilespmem:s31+$0xFFFFFFE0]  }
0xf4: {  	v8 =	vld [tilespmem:s31+$0xFFFFFFF0];
	v0 =	vadd.f32 $8.999999760e-01, v0  }
0xf5: {  	v9 =	vld [tilespmem:s2+$0xFFFFFFA0];
	v2 =	vadd.f32 $8.999999760e-01, v2;
	v3 =	vadd.f32 $8.999999760e-01, v3  }
0xf6: {  	v10 =	vld [tilespmem:s2+$0xFFFFFFB0];
	vm3 =	vge.f32 v0, $1.000000000e+00;
	v0 =	vadd.f32 $8.999999760e-01, v4  }
0xf7: {  	vm0 =	vge.f32 v2, $1.000000000e+00;
	vm5 =	vge.f32 v3, $1.000000000e+00;
	v3 =	vadd.f32 $8.999999760e-01, v5;
	v2 =	vld [tilespmem:s2+$0xFFFFFFC0]  }
0xf8: {  	v4 =	vmul.f32 $1.111111160e+00, v1;
	v5 =	vadd.f32 $8.999999760e-01, v6;
	v1 =	vld [tilespmem:s2+$0xFFFFFFD0];
	v6 =	vadd.f32 $8.999999760e-01, v7  }
0xf9: {  	v7 =	vadd.f32 $8.999999760e-01, v8;
	vm2 =	vge.f32 v0, $1.000000000e+00;
	vm1 =	vge.f32 v3, $1.000000000e+00;
	v0 =	vld [tilespmem:s2+$0xFFFFFFE0]  }
0xfa: {  	s3 =	simm.s32 $0xBCC0;
	v4 =	vnsel vm3, $0x0, v4;
	vm3 =	vge.f32 v5, $1.000000000e+00;
	v5 =	vmul.f32 $1.111111160e+00, v9;
	v3 =	vld [tilespmem:s2+$0xFFFFFFF0]  }
0xfb: {  	s5 =	simm.s32 $0x7BC0;
	s4 =	simm.s32 $0x3950;
	vm4 =	vge.f32 v6, $1.000000000e+00;
	v6 =	vmul.f32 $1.111111160e+00, v10;
	vm6 =	vge.f32 v7, $1.000000000e+00;
	[tilespmem:s3+$0x0] =	vst v4;
	v4 =	vld [tilespmem:s2+$0xFFFFFF90]  }
.LBB2_11:
0xfc: {  	v7 =	vld [tilespmem:s5+$0x0];
	s4 =	sadd.s32 $0x80, s4;
	v5 =	vnsel vm5, $0x0, v5;
	v2 =	vmul.f32 $1.111111160e+00, v2;
	s2 =	sadd.s32 $0x80, s2  }
0xfd: {  	v8 =	vld [tilespmem:s2+$0x0];
	p1 =	slt.u32 s4, $0x40D0;
	[tilespmem:s3+$0xFFFFFFA0] =	vst v5;
	v5 =	vnsel vm2, $0x0, v6;
	v1 =	vmul.f32 $1.111111160e+00, v1  }
0xfe: {  	v6 =	vld [tilespmem:s5+$0xFFFFFF90];
	[tilespmem:s3+$0xFFFFFFB0] =	vst v5;
	v2 =	vnsel vm1, $0x0, v2;
	v0 =	vmul.f32 $1.111111160e+00, v0  }
0xff: {  	v5 =	vld [tilespmem:s5+$0xFFFFFFA0];
	[tilespmem:s3+$0xFFFFFFC0] =	vst v2;
	v1 =	vnsel vm3, $0x0, v1;
	v2 =	vmul.f32 $1.111111160e+00, v3  }
0x100: {  	v3 =	vld [tilespmem:s5+$0xFFFFFFB0];
	v4 =	vmul.f32 $1.111111160e+00, v4;
	[tilespmem:s3+$0xFFFFFFD0] =	vst v1;
	v0 =	vnsel vm4, $0x0, v0  }
0x101: {  	v1 =	vld [tilespmem:s5+$0xFFFFFFC0];
	v7 =	vadd.f32 $8.999999760e-01, v7;
	[tilespmem:s3+$0xFFFFFFE0] =	vst v0;
	v0 =	vnsel vm6, $0x0, v2  }
0x102: {  	v9 =	vld [tilespmem:s5+$0xFFFFFFD0];
	v2 =	vmul.f32 $1.111111160e+00, v8;
	v4 =	vnsel vm0, $0x0, v4;
	[tilespmem:s3+$0xFFFFFFF0] =	vst v0  }
0x103: {  	v0 =	vadd.f32 $8.999999760e-01, v6;
	v6 =	vld [tilespmem:s5+$0xFFFFFFE0];
	vm0 =	vge.f32 v7, $1.000000000e+00;
	[tilespmem:s3+$0xFFFFFF90] =	vst v4  }
0x104: {  	s3 =	sadd.s32 $0x80, s3;
	v4 =	vadd.f32 $8.999999760e-01, v5;
	v5 =	vld [tilespmem:s5+$0xFFFFFFF0];
	v2 =	vnsel vm0, $0x0, v2  }
0x105: {  	vm0 =	vge.f32 v0, $1.000000000e+00;
	v7 =	vld [tilespmem:s2+$0xFFFFFFA0];
	v0 =	vadd.f32 $8.999999760e-01, v3;
	[tilespmem:s3+$0x0] =	vst v2  }
0x106: {  	vm5 =	vge.f32 v4, $1.000000000e+00;
	v8 =	vld [tilespmem:s2+$0xFFFFFFB0];
	v1 =	vadd.f32 $8.999999760e-01, v1  }
.Ltmp5:
0x107: {  	vm2 =	vge.f32 v0, $1.000000000e+00;
	v2 =	vld [tilespmem:s2+$0xFFFFFFC0];
	v0 =	vadd.f32 $8.999999760e-01, v9;
	(pc) =	sbr.rel @p1 .LBB2_11-.Ltmp5, $4  }
0x108: {  	vm1 =	vge.f32 v1, $1.000000000e+00;
	v1 =	vld [tilespmem:s2+$0xFFFFFFD0];
	v3 =	vadd.f32 $8.999999760e-01, v6  }
0x109: {  	vm3 =	vge.f32 v0, $1.000000000e+00;
	v0 =	vld [tilespmem:s2+$0xFFFFFFE0];
	v9 =	vadd.f32 $8.999999760e-01, v5  }
0x10a: {  	v5 =	vmul.f32 $1.111111160e+00, v7;
	vm4 =	vge.f32 v3, $1.000000000e+00;
	v3 =	vld [tilespmem:s2+$0xFFFFFFF0]  }
0x10b: {  	s5 =	sadd.s32 $0x80, s5;
	v4 =	vld [tilespmem:s2+$0xFFFFFF90];
	v6 =	vmul.f32 $1.111111160e+00, v8;
	vm6 =	vge.f32 v9, $1.000000000e+00  }
0x10c: {  	v5 =	vnsel vm5, $0x0, v5;
	v2 =	vmul.f32 $1.111111160e+00, v2  }
0x10d: {  	[tilespmem:s3+$0xFFFFFFA0] =	vst v5;
	v59 =	vnsel vm2, $0x0, v6;
	v1 =	vmul.f32 $1.111111160e+00, v1  }
0x10e: {  	[tilespmem:s3+$0xFFFFFFB0] =	vst v59;
	v2 =	vnsel vm1, $0x0, v2;
	v0 =	vmul.f32 $1.111111160e+00, v0  }
0x10f: {  	[tilespmem:s3+$0xFFFFFFC0] =	vst v2;
	v1 =	vnsel vm3, $0x0, v1;
	v60 =	vmul.f32 $1.111111160e+00, v3  }
0x110: {  	v61 =	vmul.f32 $1.111111160e+00, v4;
	[tilespmem:s3+$0xFFFFFFD0] =	vst v1;
	v0 =	vnsel vm4, $0x0, v0  }
0x111: {  	[tilespmem:s3+$0xFFFFFFE0] =	vst v0;
	v62 =	vnsel vm6, $0x0, v60  }
0x112: {  	s2 =	simm.s32 $0x4140;
	v63 =	vnsel vm0, $0x0, v61;
	[tilespmem:s3+$0xFFFFFFF0] =	vst v62  }
0x113: {  	s4 =	simm.s32 $0x82D0;
	s5 =	simm.s32 $0x4150;
	[tilespmem:s3+$0xFFFFFF90] =	vst v63;
	s3 =	simm.s32 $0xC450  }
.LBB2_13:
0x114: {  	v0 =	vld [tilespmem:s4+$0x0]  }
0x115: {  	v1 =	vld [tilespmem:s5+$0x0];
	_ =	sdelay $0x1  }
0x116: {  	s2 =	sadd.s32 $0x10, s2  }
0x117: {  	p1 =	slt.u32 s2, $0x4170  }
.Ltmp6:
0x118: {  	v0 =	vadd.f32 $8.999999760e-01, v0;
	(pc) =	sbr.rel @p1 .LBB2_13-.Ltmp6, $4  }
0x119: {  	v1 =	vmul.f32 $1.111111160e+00, v1  }
0x11a: {  	vm0 =	vge.f32 v0, $1.000000000e+00  }
0x11b: {  	v0 =	vnsel vm0, $0x0, v1  }
0x11c: {  	s4 =	sadd.s32 $0x10, s4;
	s5 =	sadd.s32 $0x10, s5;
	[tilespmem:s3+$0x0] =	vst v0;
	s3 =	sadd.s32 $0x10, s3  }
0x11d: {  	s2 =	simm.s32 $0x0;
	s3 =	simm.s32 $0xBC50  }
0x11e: {  	[hbm4b:s1+s2] =	stream.linear.scatter [tilespmem:s3], [sflag:$0x2], $0x830, $0x38;
	[tilespmem:$0xC680] =	vst v63  }
0x11f: {  	s1 =	simm.s32 @!p0 $0x3  }
0x120: {  	_ =	swait.ge @!p0 [sflag:s1], $0x93  }
0x121: {  	[sflag:s1] =	ssyncset.done @!p0 $0x0  }
0x122: {  	s31 =	simm.s32 $0x2;
	[sflag:s1] =	ssyncadd.s32 @!p0 $0xFFFFFF6D  }
0x123: {  	_ =	swait.ge [sflag:s31], $0x1890  }
0x124: {  	[sflag:s31] =	ssyncset.done $0x0  }
0x125: {  	[sflag:s31] =	ssyncadd.s32 $0xFFFFE770  }
0x126: {  	_ =	swait.ge [sflag:s31], $0x1890  }
0x127: {  	[sflag:s31] =	ssyncset.done $0x0  }
0x128: {  	[sflag:s31] =	ssyncadd.s32 $0xFFFFE770  }
0x129: {  	_ =	swait.ge [sflag:s31], $0x830  }
0x12a: {  	[sflag:s31] =	ssyncset.done $0x0  }
0x12b: {  	[sflag:s31] =	ssyncadd.s32 $0xFFFFF7D0  }
0x12c: {  	_ =	swait.ge [sflag:s31], $0x830  }
0x12d: {  	[sflag:s31] =	ssyncset.done $0x0  }
0x12e: {  	[sflag:s31] =	ssyncadd.s32 $0xFFFFF7D0  }
0x12f: {  	_ =	sfence.sel $0x180000  }
0x130: {  	[bflag:$0x0] =	sbarrier.arrive $0xFFFF  }
0x131: {  	_ =	strace $0x90000047  }
0x132: {  	s0 =	sadd.s32 @!p0 $0x100000, s0;
	[bflag:$0x2] =	sbarrier.arrive $0xFFFF  }
0x133: {  	[sflag:s0] =	ssyncadd.tile.s32 @!p0 $0x1;
	_ =	shalt  }
.Lfunc_end2:
_tile_overlayer_lowered:
.L_overlay_start_2:
0x134: {  	(tag) =	ssettag $0x2  }
0x135: {  	s0 =	rddreg [dreg:$0x0];
	s2 =	stileid.u32  }
0x136: {  	s1 =	rddreg [dreg:$0x1];
	p0 =	sne.s32 s2, $0x0  }
0x137: {  	s3 =	rddreg [dreg:$0x2];
	[bflag:$0x3] =	sbarrier.arrive $0xFFFF;
	s2 =	simm.s32 @!p0 $0x1C04  }
0x138: {  	[timem:s3], [sflag:s2] =	dma.local @!p0 [hbm:s0], s1  }
0x139: {  	s0 =	simm.s32 @!p0 $0x4  }
0x13a: {  	_ =	swait.ge @!p0 [sflag:s0], s1  }
0x13b: {  	s1 =	ssub.s32 @!p0 $0x0, s1;
	[sflag:s0] =	ssyncset.done @!p0 $0x0  }
0x13c: {  	[sflag:s0] =	ssyncadd.s32 @!p0 s1  }
0x13d: {  	[bflag:$0x3] =	sbarrier.arrive $0xFFFF  }
0x13e: {  	_ =	shalt  }

</sc_bundles>
